<compile_context>
chip_gen: v7x
topology: tpu7x:2x2x1
jax: 0.10.2.dev20260603
libtpu: 0.0.44.dev20260713+nightly
codegen_flags: <defaults>
</compile_context>

<pallas_src>
import jax
import jax.numpy as jnp
from jax import lax
from jax.experimental import pallas as pl
from jax.experimental.pallas import tpu as pltpu
from jax.experimental.pallas import tpu_sc as plsc
from jax._src.pallas.mosaic import lowering as _mosaic_lowering

_tpu_dialect = _mosaic_lowering.tpu
_ir = _mosaic_lowering.ir

if not getattr(_tpu_dialect, "_w2v_flat_gather_patch", False):
    _orig_enqueue_indirect = _tpu_dialect.enqueue_indirect_dma
    _orig_wait_indirect = _tpu_dialect.wait_indirect_dma

    def _strip_flat_hbm_tiling(ref):
        try:
            ty = _ir.MemRefType(ref.type)
        except Exception:
            return ref
        if (
            len(ty.shape) == 2
            and ty.shape[-1] == 1
            and "hbm" in str(ty.memory_space)
        ):
            base = ref
            try:
                while base.owner.name in ("tpu.memref_reshape",
                                          "tpu.reinterpret_cast"):
                    base = base.owner.operands[0]
            except Exception:
                base = ref
            linear = _ir.Attribute.parse("#tpu.tiled<(1,1),[1,1]>", ty.context)
            new_ty = _ir.MemRefType.get(
                ty.shape, ty.element_type, layout=linear,
                memory_space=ty.memory_space,
            )
            return _tpu_dialect.reinterpret_cast(new_ty, base)
        return ref

    def _enqueue_indirect(source, target, offsets, semaphore, **kw):
        return _orig_enqueue_indirect(
            _strip_flat_hbm_tiling(source), target, offsets, semaphore, **kw
        )

    def _wait_indirect(semaphore, src, dst, **kw):
        return _orig_wait_indirect(
            semaphore, _strip_flat_hbm_tiling(src), dst, **kw
        )

    _tpu_dialect.enqueue_indirect_dma = _enqueue_indirect
    _tpu_dialect.wait_indirect_dma = _wait_indirect

    _orig_memref_reshape = _tpu_dialect.memref_reshape

    def _memref_reshape(result_ty, ref, **kw):
        try:
            rty = _ir.MemRefType(result_ty)
            if len(rty.shape) == 2 and rty.shape[-1] == 1:
                linear = _ir.Attribute.parse(
                    "#tpu.tiled<(1,1),[1,1]>", rty.context
                )
                new_ty = _ir.MemRefType.get(
                    rty.shape, rty.element_type, layout=linear,
                    memory_space=rty.memory_space,
                )
                return _tpu_dialect.reinterpret_cast(new_ty, ref, **kw)
        except Exception:
            pass
        return _orig_memref_reshape(result_ty, ref, **kw)

    _tpu_dialect.memref_reshape = _memref_reshape

    _orig_memref_slice = _tpu_dialect.memref_slice

    def _memref_slice(result_ty, ref, *args, **kw):
        try:
            sty = _ir.MemRefType(ref.type)
            rty = _ir.MemRefType(result_ty)
            if (
                "tiled<(1,1)" in str(sty)
                and "tiled<(1,1)" not in str(rty)
                and len(rty.shape) == len(sty.shape)
            ):
                result_ty = _ir.MemRefType.get(
                    rty.shape, rty.element_type, layout=sty.layout,
                    memory_space=rty.memory_space,
                )
        except Exception:
            pass
        return _orig_memref_slice(result_ty, ref, *args, **kw)

    _tpu_dialect.memref_slice = _memref_slice

    _memref_dialect = _mosaic_lowering.memref
    _orig_alloca = _memref_dialect.alloca

    def _alloca(ty, *args, **kw):
        try:
            mty = _ir.MemRefType(ty)
            if (
                len(mty.shape) == 2
                and mty.shape[-1] == 1
                and "vmem" in str(mty.memory_space)
            ):
                with _ir.Location.unknown(mty.context):
                    linear = _ir.Attribute.parse(
                        "#tpu.tiled<(1,1),[1,1]>", mty.context
                    )
                    ty = _ir.MemRefType.get(
                        mty.shape, mty.element_type, layout=linear,
                        memory_space=mty.memory_space,
                    )
        except Exception:
            pass
        return _orig_alloca(ty, *args, **kw)

    _memref_dialect.alloca = _alloca
    _tpu_dialect._w2v_flat_gather_patch = True

VOC = 1000000
EMBED = 32
BATCH = 16384

_info = plsc.get_sparse_core_info()
_NC, _NS, _L = _info.num_cores, _info.num_subcores, _info.num_lanes
_NW = _NC * _NS
_BPW = BATCH // _NW
_NB = _BPW // _L

_TPB = (VOC + 127) // 128
_BLOCK_WORDS = _TPB * 1024
_FLAT = EMBED * VOC
_COMBO = [a * _BLOCK_WORDS + s * 128 for a in range(EMBED // 8) for s in range(8)]


_CH = 2048
_NCH = EMBED * _BPW // _CH
_RING = 3
_CROWS = _CH // 128


def _sc_body(xt_hbm, xc_hbm, wt_hbm, ct_hbm, out_hbm,
             xt_v, xc_v, idxw, idxc, *rest):
    wbufs = rest[:_RING]
    cbufs = rest[_RING:2 * _RING]
    acc_v = rest[2 * _RING]
    sws = rest[2 * _RING + 1:3 * _RING + 1]
    scs = rest[3 * _RING + 1:4 * _RING + 1]

    wid = lax.axis_index("s") * _NC + lax.axis_index("c")
    base = wid * _BPW

    pltpu.sync_copy(xt_hbm.at[pl.ds(base, _BPW)], xt_v)
    pltpu.sync_copy(xc_hbm.at[pl.ds(base, _BPW)], xc_v)

    def bases(b, carry):
        vt = xt_v[pl.ds(b * _L, _L)]
        vc = xc_v[pl.ds(b * _L, _L)]
        xt_v[pl.ds(b * _L, _L)] = (vt >> 7) * 1024 + (vt & 127)
        xc_v[pl.ds(b * _L, _L)] = (vc >> 7) * 1024 + (vc & 127)
        return carry

    lax.fori_loop(0, _NB, bases, 0, unroll=False)

    def gen_chunk(c):
        def gen(b, carry):
            bt = xt_v[pl.ds(b * _L, _L)]
            bc = xc_v[pl.ds(b * _L, _L)]
            for kk in range(_CH // _BPW):
                k = c * (_CH // _BPW) + kk
                off = _COMBO[k]
                pos = c * _CH + kk * _BPW + b * _L
                idxw[pl.ds(pos, _L)] = bt + off
                idxc[pl.ds(pos, _L)] = bc + off
            return carry

        lax.fori_loop(0, _NB, gen, 0, unroll=False)

    def zacc(b, carry):
        acc_v[pl.ds(b * _L, _L)] = jnp.zeros((_L,), jnp.float32)
        return carry

    lax.fori_loop(0, _NB, zacc, 0, unroll=False)

    fw = wt_hbm.reshape(_FLAT, 1)
    fc = ct_hbm.reshape(_FLAT, 1)

    def fire(c, r):
        pltpu.async_copy(fw.at[idxw.at[pl.ds(c * _CH, _CH)]],
                         wbufs[r].reshape(_CH, 1), sws[r])
        pltpu.async_copy(fc.at[idxc.at[pl.ds(c * _CH, _CH)]],
                         cbufs[r].reshape(_CH, 1), scs[r])

    for r in range(_RING):
        gen_chunk(r)
        fire(r, r)

    def chunk_body(c, r):
        pltpu.make_async_copy(
            fw.at[idxw.at[pl.ds(c * _CH, _CH)]],
            wbufs[r].reshape(_CH, 1), sws[r]).wait()
        pltpu.make_async_copy(
            fc.at[idxc.at[pl.ds(c * _CH, _CH)]],
            cbufs[r].reshape(_CH, 1), scs[r]).wait()

        if c + _RING < _NCH:
            gen_chunk(c + _RING)

        def grp(g, carry):
            e = g * _L
            row = e >> 7
            col = e & 127
            gw = wbufs[r][row, pl.ds(col, _L)]
            gc = cbufs[r][row, pl.ds(col, _L)]
            q = e & (_BPW - 1)
            acc_v[pl.ds(q, _L)] = acc_v[pl.ds(q, _L)] + gw * gc
            return carry

        lax.fori_loop(0, _CH // _L, grp, 0, unroll=False)

        if c + _RING < _NCH:
            fire(c + _RING, r)

    for c in range(_NCH):
        chunk_body(c, c % _RING)

    def sig(b, carry):
        v = acc_v[pl.ds(b * _L, _L)]
        acc_v[pl.ds(b * _L, _L)] = 1.0 / (1.0 + jnp.exp(-v))
        return carry

    lax.fori_loop(0, _NB, sig, 0, unroll=False)

    pltpu.sync_copy(acc_v, out_hbm.at[pl.ds(base, _BPW)])


def kernel(Xt, Xc, W, C):
    mesh = plsc.VectorSubcoreMesh(core_axis_name="c", subcore_axis_name="s")
    f = pl.kernel(
        _sc_body,
        out_type=jax.ShapeDtypeStruct((BATCH,), jnp.float32),
        mesh=mesh,
        compiler_params=pltpu.CompilerParams(
            needs_layout_passes=False, disable_bounds_checks=True),
        scratch_types=(
            [
                pltpu.VMEM((_BPW,), jnp.int32),
                pltpu.VMEM((_BPW,), jnp.int32),
                pltpu.VMEM((EMBED * _BPW,), jnp.int32),
                pltpu.VMEM((EMBED * _BPW,), jnp.int32),
            ]
            + [pltpu.VMEM((_CROWS, 128), jnp.float32) for _ in range(2 * _RING)]
            + [pltpu.VMEM((_BPW,), jnp.float32)]
            + [pltpu.SemaphoreType.DMA for _ in range(2 * _RING)]
        ),
    )
    return f(Xt.astype(jnp.int32), Xc.astype(jnp.int32), W.T, C.T)

# --- scband reference (transcript-rebuilt; emitter-appended) ---
"""Pipeline reference for scband-word2-vec-20366734917928 (READ-ONLY COPY).

The authoritative reference and input builder live on the scoring server;
editing this copy changes nothing except your own understanding.
"""

import jax, jax.numpy as jnp
import numpy as np

VOC_SIZE = 1000000
EMBED = 32
BATCH = 16384

def setup_inputs(seed: int = 0) -> dict:
    key = jax.random.key(seed)
    k1, k2, k3, k4 = jax.random.split(key, 4)
    Xt = jax.random.randint(k1, (BATCH,), 0, VOC_SIZE, dtype=jnp.int64) if jax.config.jax_enable_x64 else jax.random.randint(k1, (BATCH,), 0, VOC_SIZE).astype(jnp.int32)
    Xc = jax.random.randint(k2, (BATCH,), 0, VOC_SIZE).astype(Xt.dtype)
    W = jax.random.normal(k3, (VOC_SIZE, EMBED), dtype=jnp.float32)
    C = jax.random.normal(k4, (VOC_SIZE, EMBED), dtype=jnp.float32)
    return {"Xt": Xt, "Xc": Xc, "W": W, "C": C}

def reference(Xt, Xc, W, C):
    # w = self.W(Xt); c = self.C(Xc)
    w = jnp.take(W, Xt, axis=0)
    c = jnp.take(C, Xc, axis=0)
    # torch.einsum('ij,ji->i', w, c.t()) == row-wise dot product
    dot = jnp.einsum('ij,ji->i', w, c.T)
    return jax.nn.sigmoid(dot)

if False:  # reference __main__ guard neutralized (emitter)
    inp = setup_inputs()
    out = reference(**inp)
    print(out.shape, out.dtype)

if __name__ == "__main__":
    import jax
    _d = setup_inputs()
    print(jax.jit(kernel)(*tuple(_d.values())))

</pallas_src>

<mosaic_0001>
#map = affine_map<(d0, d1) -> (0)>
#map1 = affine_map<(d0, d1) -> (0, 0)>
module attributes {stable_mosaic.version = 14 : i64} {
  func.func @_sc_body(%arg0: i32, %arg1: i32, %arg2: memref<16384xi32, #tpu.memory_space<hbm>>, %arg3: memref<16384xi32, #tpu.memory_space<hbm>>, %arg4: memref<32x1000000xf32, #tpu.memory_space<hbm>>, %arg5: memref<32x1000000xf32, #tpu.memory_space<hbm>>, %arg6: memref<16384xf32, #tpu.memory_space<hbm>>, %arg7: memref<512xi32, #tpu.memory_space<vmem>>, %arg8: memref<512xi32, #tpu.memory_space<vmem>>, %arg9: memref<16384xi32, #tpu.memory_space<vmem>>, %arg10: memref<16384xi32, #tpu.memory_space<vmem>>, %arg11: memref<16x128xf32, #tpu.memory_space<vmem>>, %arg12: memref<16x128xf32, #tpu.memory_space<vmem>>, %arg13: memref<16x128xf32, #tpu.memory_space<vmem>>, %arg14: memref<16x128xf32, #tpu.memory_space<vmem>>, %arg15: memref<16x128xf32, #tpu.memory_space<vmem>>, %arg16: memref<16x128xf32, #tpu.memory_space<vmem>>, %arg17: memref<512xf32, #tpu.memory_space<vmem>>, %arg18: memref<!tpu.dma_semaphore, #tpu.memory_space<semaphore_mem>>, %arg19: memref<!tpu.dma_semaphore, #tpu.memory_space<semaphore_mem>>, %arg20: memref<!tpu.dma_semaphore, #tpu.memory_space<semaphore_mem>>, %arg21: memref<!tpu.dma_semaphore, #tpu.memory_space<semaphore_mem>>, %arg22: memref<!tpu.dma_semaphore, #tpu.memory_space<semaphore_mem>>, %arg23: memref<!tpu.dma_semaphore, #tpu.memory_space<semaphore_mem>>) attributes {dimension_semantics = [#tpu.dimension_semantics<core_parallel>, #tpu.dimension_semantics<subcore_parallel>], iteration_bounds = array<i64: 2, 16>, scalar_prefetch = 0 : i64, scratch_operands = 17 : i64, tpu.core_type = #tpu.core_type<sc_vector_subcore>, window_params = [{transform_indices = #map}, {transform_indices = #map}, {transform_indices = #map1}, {transform_indices = #map1}, {transform_indices = #map}]} {
    %mul3A = arith.constant 2 : i32
    %mul3A_0 = arith.muli %arg1, %mul3A : i32
    %add3A = arith.addi %mul3A_0, %arg0 : i32
    %mul3A_1 = arith.constant 512 : i32
    %mul3A_2 = arith.muli %add3A, %mul3A_1 : i32
    "tpu.region"() ({
      %run_scoped3A = tpu.sem_alloc : memref<!tpu.dma_semaphore, #tpu.memory_space<semaphore_mem>>
      %dma_start3A_370 = tpu.memref_slice %arg2[%mul3A_2] : memref<16384xi32, #tpu.memory_space<hbm>> -> memref<512xi32, #tpu.memory_space<hbm>>
      %dma_start3A_371 = tpu.memref_slice %arg2[%mul3A_2] : memref<16384xi32, #tpu.memory_space<hbm>> -> memref<512xi32, #tpu.memory_space<hbm>>
      tpu.enqueue_dma source(%dma_start3A_371 : memref<512xi32, #tpu.memory_space<hbm>>) target(%arg7 : memref<512xi32, #tpu.memory_space<vmem>>) target_semaphore(%run_scoped3A : memref<!tpu.dma_semaphore, #tpu.memory_space<semaphore_mem>>)
      %dma_wait3A_372 = tpu.memref_slice %arg2[%mul3A_2] : memref<16384xi32, #tpu.memory_space<hbm>> -> memref<512xi32, #tpu.memory_space<hbm>>
      %dma_wait3A_373 = tpu.memref_slice %arg2[%mul3A_2] : memref<16384xi32, #tpu.memory_space<hbm>> -> memref<512xi32, #tpu.memory_space<hbm>>
      tpu.wait_dma2 semaphore(%run_scoped3A : memref<!tpu.dma_semaphore, #tpu.memory_space<semaphore_mem>>) src(%dma_wait3A_373 : memref<512xi32, #tpu.memory_space<hbm>>) dst(%arg7 : memref<512xi32, #tpu.memory_space<vmem>>)
      tpu.yield
    }) : () -> ()
    "tpu.region"() ({
      %run_scoped3A = tpu.sem_alloc : memref<!tpu.dma_semaphore, #tpu.memory_space<semaphore_mem>>
      %dma_start3A_370 = tpu.memref_slice %arg3[%mul3A_2] : memref<16384xi32, #tpu.memory_space<hbm>> -> memref<512xi32, #tpu.memory_space<hbm>>
      %dma_start3A_371 = tpu.memref_slice %arg3[%mul3A_2] : memref<16384xi32, #tpu.memory_space<hbm>> -> memref<512xi32, #tpu.memory_space<hbm>>
      tpu.enqueue_dma source(%dma_start3A_371 : memref<512xi32, #tpu.memory_space<hbm>>) target(%arg8 : memref<512xi32, #tpu.memory_space<vmem>>) target_semaphore(%run_scoped3A : memref<!tpu.dma_semaphore, #tpu.memory_space<semaphore_mem>>)
      %dma_wait3A_372 = tpu.memref_slice %arg3[%mul3A_2] : memref<16384xi32, #tpu.memory_space<hbm>> -> memref<512xi32, #tpu.memory_space<hbm>>
      %dma_wait3A_373 = tpu.memref_slice %arg3[%mul3A_2] : memref<16384xi32, #tpu.memory_space<hbm>> -> memref<512xi32, #tpu.memory_space<hbm>>
      tpu.wait_dma2 semaphore(%run_scoped3A : memref<!tpu.dma_semaphore, #tpu.memory_space<semaphore_mem>>) src(%dma_wait3A_373 : memref<512xi32, #tpu.memory_space<hbm>>) dst(%arg8 : memref<512xi32, #tpu.memory_space<vmem>>)
      tpu.yield
    }) : () -> ()
    %scan3A = arith.constant 0 : i32
    %scan3A_3 = arith.constant 0 : i32
    %scan3A_4 = arith.constant 32 : i32
    %scan3A_5 = arith.addi %scan3A_3, %scan3A_4 : i32
    %scan3A_6 = arith.constant 1 : i32
    scf.for %scan3A_370 = %scan3A_3 to %scan3A_5 step %scan3A_6  : i32 {
      %mul3A_371 = arith.constant 16 : i32
      %mul3A_372 = arith.muli %scan3A_370, %mul3A_371 : i32
      %get3A = arith.index_cast %mul3A_372 : i32 to index
      %get3A_373 = tpu.vector_load %arg7[%get3A] {strides = array<i32>} : memref<512xi32, #tpu.memory_space<vmem>>, vector<16xi32>,
      %mul3A_374 = arith.constant 16 : i32
      %mul3A_375 = arith.muli %scan3A_370, %mul3A_374 : i32
      %get3A_376 = arith.index_cast %mul3A_375 : i32 to index
      %get3A_377 = tpu.vector_load %arg8[%get3A_376] {strides = array<i32>} : memref<512xi32, #tpu.memory_space<vmem>>, vector<16xi32>,
      %shift_right_arithmetic3A = arith.constant 7 : i32
      %shift_right_arithmetic3A_378 = vector.broadcast %shift_right_arithmetic3A : i32 to vector<16xi32>
      %shift_right_arithmetic3A_379 = arith.shrsi %get3A_373, %shift_right_arithmetic3A_378 : vector<16xi32>
      %mul3A_380 = arith.constant 1024 : i32
      %mul3A_381 = vector.broadcast %mul3A_380 : i32 to vector<16xi32>
      %mul3A_382 = arith.muli %shift_right_arithmetic3A_379, %mul3A_381 : vector<16xi32>
      %and3A = arith.constant 127 : i32
      %and3A_383 = vector.broadcast %and3A : i32 to vector<16xi32>
      %and3A_384 = arith.andi %get3A_373, %and3A_383 : vector<16xi32>
      %add3A_385 = arith.addi %mul3A_382, %and3A_384 : vector<16xi32>
      %mul3A_386 = arith.constant 16 : i32
      %mul3A_387 = arith.muli %scan3A_370, %mul3A_386 : i32
      %swap3A = arith.index_cast %mul3A_387 : i32 to index
      %swap3A_388 = tpu.vector_load %arg7[%swap3A] {strides = array<i32>} : memref<512xi32, #tpu.memory_space<vmem>>, vector<16xi32>,
      tpu.vector_store %arg7[%swap3A], %add3A_385 {strides = array<i32>} : memref<512xi32, #tpu.memory_space<vmem>>, vector<16xi32>,
      %shift_right_arithmetic3A_389 = arith.constant 7 : i32
      %shift_right_arithmetic3A_390 = vector.broadcast %shift_right_arithmetic3A_389 : i32 to vector<16xi32>
      %shift_right_arithmetic3A_391 = arith.shrsi %get3A_377, %shift_right_arithmetic3A_390 : vector<16xi32>
      %mul3A_392 = arith.constant 1024 : i32
      %mul3A_393 = vector.broadcast %mul3A_392 : i32 to vector<16xi32>
      %mul3A_394 = arith.muli %shift_right_arithmetic3A_391, %mul3A_393 : vector<16xi32>
      %and3A_395 = arith.constant 127 : i32
      %and3A_396 = vector.broadcast %and3A_395 : i32 to vector<16xi32>
      %and3A_397 = arith.andi %get3A_377, %and3A_396 : vector<16xi32>
      %add3A_398 = arith.addi %mul3A_394, %and3A_397 : vector<16xi32>
      %mul3A_399 = arith.constant 16 : i32
      %mul3A_400 = arith.muli %scan3A_370, %mul3A_399 : i32
      %swap3A_401 = arith.index_cast %mul3A_400 : i32 to index
      %swap3A_402 = tpu.vector_load %arg8[%swap3A_401] {strides = array<i32>} : memref<512xi32, #tpu.memory_space<vmem>>, vector<16xi32>,
      tpu.vector_store %arg8[%swap3A_401], %add3A_398 {strides = array<i32>} : memref<512xi32, #tpu.memory_space<vmem>>, vector<16xi32>,
    }
    %scan3A_7 = arith.constant 32 : i32
    %scan3A_8 = arith.constant 0 : i32
    %scan3A_9 = arith.constant 0 : i32
    %scan3A_10 = arith.constant 32 : i32
    %scan3A_11 = arith.addi %scan3A_9, %scan3A_10 : i32
    %scan3A_12 = arith.constant 1 : i32
    scf.for %scan3A_370 = %scan3A_9 to %scan3A_11 step %scan3A_12  : i32 {
      %broadcast_in_dim3A = arith.constant 0.000000e+00 : f32
      %broadcast_in_dim3A_371 = vector.broadcast %broadcast_in_dim3A : f32 to vector<16xf32>
      %mul3A_372 = arith.constant 16 : i32
      %mul3A_373 = arith.muli %scan3A_370, %mul3A_372 : i32
      %swap3A = arith.index_cast %mul3A_373 : i32 to index
      %swap3A_374 = tpu.vector_load %arg17[%swap3A] {strides = array<i32>} : memref<512xf32, #tpu.memory_space<vmem>>, vector<16xf32>,
      tpu.vector_store %arg17[%swap3A], %broadcast_in_dim3A_371 {strides = array<i32>} : memref<512xf32, #tpu.memory_space<vmem>>, vector<16xf32>,
    }
    %scan3A_13 = arith.constant 32 : i32
    %scan3A_14 = arith.constant 0 : i32
    %scan3A_15 = arith.constant 0 : i32
    %scan3A_16 = arith.constant 32 : i32
    %scan3A_17 = arith.addi %scan3A_15, %scan3A_16 : i32
    %scan3A_18 = arith.constant 1 : i32
    scf.for %scan3A_370 = %scan3A_15 to %scan3A_17 step %scan3A_18  : i32 {
      %mul3A_371 = arith.constant 16 : i32
      %mul3A_372 = arith.muli %scan3A_370, %mul3A_371 : i32
      %get3A = arith.index_cast %mul3A_372 : i32 to index
      %get3A_373 = tpu.vector_load %arg7[%get3A] {strides = array<i32>} : memref<512xi32, #tpu.memory_space<vmem>>, vector<16xi32>,
      %mul3A_374 = arith.constant 16 : i32
      %mul3A_375 = arith.muli %scan3A_370, %mul3A_374 : i32
      %get3A_376 = arith.index_cast %mul3A_375 : i32 to index
      %get3A_377 = tpu.vector_load %arg8[%get3A_376] {strides = array<i32>} : memref<512xi32, #tpu.memory_space<vmem>>, vector<16xi32>,
      %mul3A_378 = arith.constant 16 : i32
      %mul3A_379 = arith.muli %scan3A_370, %mul3A_378 : i32
      %add3A_380 = arith.constant 0 : i32
      %add3A_381 = arith.addi %add3A_380, %mul3A_379 : i32
      %add3A_382 = arith.constant 0 : i32
      %add3A_383 = vector.broadcast %add3A_382 : i32 to vector<16xi32>
      %add3A_384 = arith.addi %get3A_373, %add3A_383 : vector<16xi32>
      %swap3A = arith.index_cast %add3A_381 : i32 to index
      %swap3A_385 = tpu.vector_load %arg9[%swap3A] {strides = array<i32>} : memref<16384xi32, #tpu.memory_space<vmem>>, vector<16xi32>,
      tpu.vector_store %arg9[%swap3A], %add3A_384 {strides = array<i32>} : memref<16384xi32, #tpu.memory_space<vmem>>, vector<16xi32>,
      %add3A_386 = arith.constant 0 : i32
      %add3A_387 = vector.broadcast %add3A_386 : i32 to vector<16xi32>
      %add3A_388 = arith.addi %get3A_377, %add3A_387 : vector<16xi32>
      %swap3A_389 = arith.index_cast %add3A_381 : i32 to index
      %swap3A_390 = tpu.vector_load %arg10[%swap3A_389] {strides = array<i32>} : memref<16384xi32, #tpu.memory_space<vmem>>, vector<16xi32>,
      tpu.vector_store %arg10[%swap3A_389], %add3A_388 {strides = array<i32>} : memref<16384xi32, #tpu.memory_space<vmem>>, vector<16xi32>,
      %mul3A_391 = arith.constant 16 : i32
      %mul3A_392 = arith.muli %scan3A_370, %mul3A_391 : i32
      %add3A_393 = arith.constant 512 : i32
      %add3A_394 = arith.addi %add3A_393, %mul3A_392 : i32
      %add3A_395 = arith.constant 128 : i32
      %add3A_396 = vector.broadcast %add3A_395 : i32 to vector<16xi32>
      %add3A_397 = arith.addi %get3A_373, %add3A_396 : vector<16xi32>
      %swap3A_398 = arith.index_cast %add3A_394 : i32 to index
      %swap3A_399 = tpu.vector_load %arg9[%swap3A_398] {strides = array<i32>} : memref<16384xi32, #tpu.memory_space<vmem>>, vector<16xi32>,
      tpu.vector_store %arg9[%swap3A_398], %add3A_397 {strides = array<i32>} : memref<16384xi32, #tpu.memory_space<vmem>>, vector<16xi32>,
      %add3A_400 = arith.constant 128 : i32
      %add3A_401 = vector.broadcast %add3A_400 : i32 to vector<16xi32>
      %add3A_402 = arith.addi %get3A_377, %add3A_401 : vector<16xi32>
      %swap3A_403 = arith.index_cast %add3A_394 : i32 to index
      %swap3A_404 = tpu.vector_load %arg10[%swap3A_403] {strides = array<i32>} : memref<16384xi32, #tpu.memory_space<vmem>>, vector<16xi32>,
      tpu.vector_store %arg10[%swap3A_403], %add3A_402 {strides = array<i32>} : memref<16384xi32, #tpu.memory_space<vmem>>, vector<16xi32>,
      %mul3A_405 = arith.constant 16 : i32
      %mul3A_406 = arith.muli %scan3A_370, %mul3A_405 : i32
      %add3A_407 = arith.constant 1024 : i32
      %add3A_408 = arith.addi %add3A_407, %mul3A_406 : i32
      %add3A_409 = arith.constant 256 : i32
      %add3A_410 = vector.broadcast %add3A_409 : i32 to vector<16xi32>
      %add3A_411 = arith.addi %get3A_373, %add3A_410 : vector<16xi32>
      %swap3A_412 = arith.index_cast %add3A_408 : i32 to index
      %swap3A_413 = tpu.vector_load %arg9[%swap3A_412] {strides = array<i32>} : memref<16384xi32, #tpu.memory_space<vmem>>, vector<16xi32>,
      tpu.vector_store %arg9[%swap3A_412], %add3A_411 {strides = array<i32>} : memref<16384xi32, #tpu.memory_space<vmem>>, vector<16xi32>,
      %add3A_414 = arith.constant 256 : i32
      %add3A_415 = vector.broadcast %add3A_414 : i32 to vector<16xi32>
      %add3A_416 = arith.addi %get3A_377, %add3A_415 : vector<16xi32>
      %swap3A_417 = arith.index_cast %add3A_408 : i32 to index
      %swap3A_418 = tpu.vector_load %arg10[%swap3A_417] {strides = array<i32>} : memref<16384xi32, #tpu.memory_space<vmem>>, vector<16xi32>,
      tpu.vector_store %arg10[%swap3A_417], %add3A_416 {strides = array<i32>} : memref<16384xi32, #tpu.memory_space<vmem>>, vector<16xi32>,
      %mul3A_419 = arith.constant 16 : i32
      %mul3A_420 = arith.muli %scan3A_370, %mul3A_419 : i32
      %add3A_421 = arith.constant 1536 : i32
      %add3A_422 = arith.addi %add3A_421, %mul3A_420 : i32
      %add3A_423 = arith.constant 384 : i32
      %add3A_424 = vector.broadcast %add3A_423 : i32 to vector<16xi32>
      %add3A_425 = arith.addi %get3A_373, %add3A_424 : vector<16xi32>
      %swap3A_426 = arith.index_cast %add3A_422 : i32 to index
      %swap3A_427 = tpu.vector_load %arg9[%swap3A_426] {strides = array<i32>} : memref<16384xi32, #tpu.memory_space<vmem>>, vector<16xi32>,
      tpu.vector_store %arg9[%swap3A_426], %add3A_425 {strides = array<i32>} : memref<16384xi32, #tpu.memory_space<vmem>>, vector<16xi32>,
      %add3A_428 = arith.constant 384 : i32
      %add3A_429 = vector.broadcast %add3A_428 : i32 to vector<16xi32>
      %add3A_430 = arith.addi %get3A_377, %add3A_429 : vector<16xi32>
      %swap3A_431 = arith.index_cast %add3A_422 : i32 to index
      %swap3A_432 = tpu.vector_load %arg10[%swap3A_431] {strides = array<i32>} : memref<16384xi32, #tpu.memory_space<vmem>>, vector<16xi32>,
      tpu.vector_store %arg10[%swap3A_431], %add3A_430 {strides = array<i32>} : memref<16384xi32, #tpu.memory_space<vmem>>, vector<16xi32>,
    }
    %scan3A_19 = arith.constant 32 : i32
    %dma_start3A = tpu.reinterpret_cast %arg11 : memref<16x128xf32, #tpu.memory_space<vmem>> -> memref<2048x1xf32, #tpu.tiled<(1,1),[1,1]>, #tpu.memory_space<vmem>>
    %dma_start3A_20 = arith.constant 0 : i32
    %dma_start3A_21 = tpu.memref_slice %arg9[%dma_start3A_20] : memref<16384xi32, #tpu.memory_space<vmem>> -> memref<2048xi32, #tpu.memory_space<vmem>>
    %dma_start3A_22 = tpu.reinterpret_cast %arg4 : memref<32x1000000xf32, #tpu.memory_space<hbm>> -> memref<32000000x1xf32, #tpu.tiled<(1,1),[1,1]>, #tpu.memory_space<hbm>>
    %dma_start3A_23 = arith.constant 0 : i32
    %dma_start3A_24 = arith.constant 0 : i32
    %dma_start3A_25 = tpu.memref_slice %dma_start3A_22[%dma_start3A_23, %dma_start3A_24] : memref<32000000x1xf32, #tpu.tiled<(1,1),[1,1]>, #tpu.memory_space<hbm>> -> memref<32000000x1xf32, #tpu.tiled<(1,1),[1,1]>, #tpu.memory_space<hbm>>
    %dma_start3A_26 = tpu.reinterpret_cast %dma_start3A_25 : memref<32000000x1xf32, #tpu.tiled<(1,1),[1,1]>, #tpu.memory_space<hbm>> -> memref<32000000x1xf32, #tpu.tiled<(1,1),[1,1]>, #tpu.memory_space<hbm>>
    tpu.enqueue_indirect_dma source(%dma_start3A_26 : memref<32000000x1xf32, #tpu.tiled<(1,1),[1,1]>, #tpu.memory_space<hbm>>) target(%dma_start3A : memref<2048x1xf32, #tpu.tiled<(1,1),[1,1]>, #tpu.memory_space<vmem>>) offsets(%dma_start3A_21 : memref<2048xi32, #tpu.memory_space<vmem>>) semaphore(%arg18 : memref<!tpu.dma_semaphore, #tpu.memory_space<semaphore_mem>>)
    %dma_start3A_27 = tpu.reinterpret_cast %arg14 : memref<16x128xf32, #tpu.memory_space<vmem>> -> memref<2048x1xf32, #tpu.tiled<(1,1),[1,1]>, #tpu.memory_space<vmem>>
    %dma_start3A_28 = arith.constant 0 : i32
    %dma_start3A_29 = tpu.memref_slice %arg10[%dma_start3A_28] : memref<16384xi32, #tpu.memory_space<vmem>> -> memref<2048xi32, #tpu.memory_space<vmem>>
    %dma_start3A_30 = tpu.reinterpret_cast %arg5 : memref<32x1000000xf32, #tpu.memory_space<hbm>> -> memref<32000000x1xf32, #tpu.tiled<(1,1),[1,1]>, #tpu.memory_space<hbm>>
    %dma_start3A_31 = arith.constant 0 : i32
    %dma_start3A_32 = arith.constant 0 : i32
    %dma_start3A_33 = tpu.memref_slice %dma_start3A_30[%dma_start3A_31, %dma_start3A_32] : memref<32000000x1xf32, #tpu.tiled<(1,1),[1,1]>, #tpu.memory_space<hbm>> -> memref<32000000x1xf32, #tpu.tiled<(1,1),[1,1]>, #tpu.memory_space<hbm>>
    %dma_start3A_34 = tpu.reinterpret_cast %dma_start3A_33 : memref<32000000x1xf32, #tpu.tiled<(1,1),[1,1]>, #tpu.memory_space<hbm>> -> memref<32000000x1xf32, #tpu.tiled<(1,1),[1,1]>, #tpu.memory_space<hbm>>
    tpu.enqueue_indirect_dma source(%dma_start3A_34 : memref<32000000x1xf32, #tpu.tiled<(1,1),[1,1]>, #tpu.memory_space<hbm>>) target(%dma_start3A_27 : memref<2048x1xf32, #tpu.tiled<(1,1),[1,1]>, #tpu.memory_space<vmem>>) offsets(%dma_start3A_29 : memref<2048xi32, #tpu.memory_space<vmem>>) semaphore(%arg21 : memref<!tpu.dma_semaphore, #tpu.memory_space<semaphore_mem>>)
    %scan3A_35 = arith.constant 0 : i32
    %scan3A_36 = arith.constant 0 : i32
    %scan3A_37 = arith.constant 32 : i32
    %scan3A_38 = arith.addi %scan3A_36, %scan3A_37 : i32
    %scan3A_39 = arith.constant 1 : i32
    scf.for %scan3A_370 = %scan3A_36 to %scan3A_38 step %scan3A_39  : i32 {
      %mul3A_371 = arith.constant 16 : i32
      %mul3A_372 = arith.muli %scan3A_370, %mul3A_371 : i32
      %get3A = arith.index_cast %mul3A_372 : i32 to index
      %get3A_373 = tpu.vector_load %arg7[%get3A] {strides = array<i32>} : memref<512xi32, #tpu.memory_space<vmem>>, vector<16xi32>,
      %mul3A_374 = arith.constant 16 : i32
      %mul3A_375 = arith.muli %scan3A_370, %mul3A_374 : i32
      %get3A_376 = arith.index_cast %mul3A_375 : i32 to index
      %get3A_377 = tpu.vector_load %arg8[%get3A_376] {strides = array<i32>} : memref<512xi32, #tpu.memory_space<vmem>>, vector<16xi32>,
      %mul3A_378 = arith.constant 16 : i32
      %mul3A_379 = arith.muli %scan3A_370, %mul3A_378 : i32
      %add3A_380 = arith.constant 2048 : i32
      %add3A_381 = arith.addi %add3A_380, %mul3A_379 : i32
      %add3A_382 = arith.constant 512 : i32
      %add3A_383 = vector.broadcast %add3A_382 : i32 to vector<16xi32>
      %add3A_384 = arith.addi %get3A_373, %add3A_383 : vector<16xi32>
      %swap3A = arith.index_cast %add3A_381 : i32 to index
      %swap3A_385 = tpu.vector_load %arg9[%swap3A] {strides = array<i32>} : memref<16384xi32, #tpu.memory_space<vmem>>, vector<16xi32>,
      tpu.vector_store %arg9[%swap3A], %add3A_384 {strides = array<i32>} : memref<16384xi32, #tpu.memory_space<vmem>>, vector<16xi32>,
      %add3A_386 = arith.constant 512 : i32
      %add3A_387 = vector.broadcast %add3A_386 : i32 to vector<16xi32>
      %add3A_388 = arith.addi %get3A_377, %add3A_387 : vector<16xi32>
      %swap3A_389 = arith.index_cast %add3A_381 : i32 to index
      %swap3A_390 = tpu.vector_load %arg10[%swap3A_389] {strides = array<i32>} : memref<16384xi32, #tpu.memory_space<vmem>>, vector<16xi32>,
      tpu.vector_store %arg10[%swap3A_389], %add3A_388 {strides = array<i32>} : memref<16384xi32, #tpu.memory_space<vmem>>, vector<16xi32>,
      %mul3A_391 = arith.constant 16 : i32
      %mul3A_392 = arith.muli %scan3A_370, %mul3A_391 : i32
      %add3A_393 = arith.constant 2560 : i32
      %add3A_394 = arith.addi %add3A_393, %mul3A_392 : i32
      %add3A_395 = arith.constant 640 : i32
      %add3A_396 = vector.broadcast %add3A_395 : i32 to vector<16xi32>
      %add3A_397 = arith.addi %get3A_373, %add3A_396 : vector<16xi32>
      %swap3A_398 = arith.index_cast %add3A_394 : i32 to index
      %swap3A_399 = tpu.vector_load %arg9[%swap3A_398] {strides = array<i32>} : memref<16384xi32, #tpu.memory_space<vmem>>, vector<16xi32>,
      tpu.vector_store %arg9[%swap3A_398], %add3A_397 {strides = array<i32>} : memref<16384xi32, #tpu.memory_space<vmem>>, vector<16xi32>,
      %add3A_400 = arith.constant 640 : i32
      %add3A_401 = vector.broadcast %add3A_400 : i32 to vector<16xi32>
      %add3A_402 = arith.addi %get3A_377, %add3A_401 : vector<16xi32>
      %swap3A_403 = arith.index_cast %add3A_394 : i32 to index
      %swap3A_404 = tpu.vector_load %arg10[%swap3A_403] {strides = array<i32>} : memref<16384xi32, #tpu.memory_space<vmem>>, vector<16xi32>,
      tpu.vector_store %arg10[%swap3A_403], %add3A_402 {strides = array<i32>} : memref<16384xi32, #tpu.memory_space<vmem>>, vector<16xi32>,
      %mul3A_405 = arith.constant 16 : i32
      %mul3A_406 = arith.muli %scan3A_370, %mul3A_405 : i32
      %add3A_407 = arith.constant 3072 : i32
      %add3A_408 = arith.addi %add3A_407, %mul3A_406 : i32
      %add3A_409 = arith.constant 768 : i32
      %add3A_410 = vector.broadcast %add3A_409 : i32 to vector<16xi32>
      %add3A_411 = arith.addi %get3A_373, %add3A_410 : vector<16xi32>
      %swap3A_412 = arith.index_cast %add3A_408 : i32 to index
      %swap3A_413 = tpu.vector_load %arg9[%swap3A_412] {strides = array<i32>} : memref<16384xi32, #tpu.memory_space<vmem>>, vector<16xi32>,
      tpu.vector_store %arg9[%swap3A_412], %add3A_411 {strides = array<i32>} : memref<16384xi32, #tpu.memory_space<vmem>>, vector<16xi32>,
      %add3A_414 = arith.constant 768 : i32
      %add3A_415 = vector.broadcast %add3A_414 : i32 to vector<16xi32>
      %add3A_416 = arith.addi %get3A_377, %add3A_415 : vector<16xi32>
      %swap3A_417 = arith.index_cast %add3A_408 : i32 to index
      %swap3A_418 = tpu.vector_load %arg10[%swap3A_417] {strides = array<i32>} : memref<16384xi32, #tpu.memory_space<vmem>>, vector<16xi32>,
      tpu.vector_store %arg10[%swap3A_417], %add3A_416 {strides = array<i32>} : memref<16384xi32, #tpu.memory_space<vmem>>, vector<16xi32>,
      %mul3A_419 = arith.constant 16 : i32
      %mul3A_420 = arith.muli %scan3A_370, %mul3A_419 : i32
      %add3A_421 = arith.constant 3584 : i32
      %add3A_422 = arith.addi %add3A_421, %mul3A_420 : i32
      %add3A_423 = arith.constant 896 : i32
      %add3A_424 = vector.broadcast %add3A_423 : i32 to vector<16xi32>
      %add3A_425 = arith.addi %get3A_373, %add3A_424 : vector<16xi32>
      %swap3A_426 = arith.index_cast %add3A_422 : i32 to index
      %swap3A_427 = tpu.vector_load %arg9[%swap3A_426] {strides = array<i32>} : memref<16384xi32, #tpu.memory_space<vmem>>, vector<16xi32>,
      tpu.vector_store %arg9[%swap3A_426], %add3A_425 {strides = array<i32>} : memref<16384xi32, #tpu.memory_space<vmem>>, vector<16xi32>,
      %add3A_428 = arith.constant 896 : i32
      %add3A_429 = vector.broadcast %add3A_428 : i32 to vector<16xi32>
      %add3A_430 = arith.addi %get3A_377, %add3A_429 : vector<16xi32>
      %swap3A_431 = arith.index_cast %add3A_422 : i32 to index
      %swap3A_432 = tpu.vector_load %arg10[%swap3A_431] {strides = array<i32>} : memref<16384xi32, #tpu.memory_space<vmem>>, vector<16xi32>,
      tpu.vector_store %arg10[%swap3A_431], %add3A_430 {strides = array<i32>} : memref<16384xi32, #tpu.memory_space<vmem>>, vector<16xi32>,
    }
    %scan3A_40 = arith.constant 32 : i32
    %dma_start3A_41 = tpu.reinterpret_cast %arg12 : memref<16x128xf32, #tpu.memory_space<vmem>> -> memref<2048x1xf32, #tpu.tiled<(1,1),[1,1]>, #tpu.memory_space<vmem>>
    %dma_start3A_42 = arith.constant 2048 : i32
    %dma_start3A_43 = tpu.memref_slice %arg9[%dma_start3A_42] : memref<16384xi32, #tpu.memory_space<vmem>> -> memref<2048xi32, #tpu.memory_space<vmem>>
    %dma_start3A_44 = tpu.reinterpret_cast %arg4 : memref<32x1000000xf32, #tpu.memory_space<hbm>> -> memref<32000000x1xf32, #tpu.tiled<(1,1),[1,1]>, #tpu.memory_space<hbm>>
    %dma_start3A_45 = arith.constant 0 : i32
    %dma_start3A_46 = arith.constant 0 : i32
    %dma_start3A_47 = tpu.memref_slice %dma_start3A_44[%dma_start3A_45, %dma_start3A_46] : memref<32000000x1xf32, #tpu.tiled<(1,1),[1,1]>, #tpu.memory_space<hbm>> -> memref<32000000x1xf32, #tpu.tiled<(1,1),[1,1]>, #tpu.memory_space<hbm>>
    %dma_start3A_48 = tpu.reinterpret_cast %dma_start3A_47 : memref<32000000x1xf32, #tpu.tiled<(1,1),[1,1]>, #tpu.memory_space<hbm>> -> memref<32000000x1xf32, #tpu.tiled<(1,1),[1,1]>, #tpu.memory_space<hbm>>
    tpu.enqueue_indirect_dma source(%dma_start3A_48 : memref<32000000x1xf32, #tpu.tiled<(1,1),[1,1]>, #tpu.memory_space<hbm>>) target(%dma_start3A_41 : memref<2048x1xf32, #tpu.tiled<(1,1),[1,1]>, #tpu.memory_space<vmem>>) offsets(%dma_start3A_43 : memref<2048xi32, #tpu.memory_space<vmem>>) semaphore(%arg19 : memref<!tpu.dma_semaphore, #tpu.memory_space<semaphore_mem>>)
    %dma_start3A_49 = tpu.reinterpret_cast %arg15 : memref<16x128xf32, #tpu.memory_space<vmem>> -> memref<2048x1xf32, #tpu.tiled<(1,1),[1,1]>, #tpu.memory_space<vmem>>
    %dma_start3A_50 = arith.constant 2048 : i32
    %dma_start3A_51 = tpu.memref_slice %arg10[%dma_start3A_50] : memref<16384xi32, #tpu.memory_space<vmem>> -> memref<2048xi32, #tpu.memory_space<vmem>>
    %dma_start3A_52 = tpu.reinterpret_cast %arg5 : memref<32x1000000xf32, #tpu.memory_space<hbm>> -> memref<32000000x1xf32, #tpu.tiled<(1,1),[1,1]>, #tpu.memory_space<hbm>>
    %dma_start3A_53 = arith.constant 0 : i32
    %dma_start3A_54 = arith.constant 0 : i32
    %dma_start3A_55 = tpu.memref_slice %dma_start3A_52[%dma_start3A_53, %dma_start3A_54] : memref<32000000x1xf32, #tpu.tiled<(1,1),[1,1]>, #tpu.memory_space<hbm>> -> memref<32000000x1xf32, #tpu.tiled<(1,1),[1,1]>, #tpu.memory_space<hbm>>
    %dma_start3A_56 = tpu.reinterpret_cast %dma_start3A_55 : memref<32000000x1xf32, #tpu.tiled<(1,1),[1,1]>, #tpu.memory_space<hbm>> -> memref<32000000x1xf32, #tpu.tiled<(1,1),[1,1]>, #tpu.memory_space<hbm>>
    tpu.enqueue_indirect_dma source(%dma_start3A_56 : memref<32000000x1xf32, #tpu.tiled<(1,1),[1,1]>, #tpu.memory_space<hbm>>) target(%dma_start3A_49 : memref<2048x1xf32, #tpu.tiled<(1,1),[1,1]>, #tpu.memory_space<vmem>>) offsets(%dma_start3A_51 : memref<2048xi32, #tpu.memory_space<vmem>>) semaphore(%arg22 : memref<!tpu.dma_semaphore, #tpu.memory_space<semaphore_mem>>)
    %scan3A_57 = arith.constant 0 : i32
    %scan3A_58 = arith.constant 0 : i32
    %scan3A_59 = arith.constant 32 : i32
    %scan3A_60 = arith.addi %scan3A_58, %scan3A_59 : i32
    %scan3A_61 = arith.constant 1 : i32
    scf.for %scan3A_370 = %scan3A_58 to %scan3A_60 step %scan3A_61  : i32 {
      %mul3A_371 = arith.constant 16 : i32
      %mul3A_372 = arith.muli %scan3A_370, %mul3A_371 : i32
      %get3A = arith.index_cast %mul3A_372 : i32 to index
      %get3A_373 = tpu.vector_load %arg7[%get3A] {strides = array<i32>} : memref<512xi32, #tpu.memory_space<vmem>>, vector<16xi32>,
      %mul3A_374 = arith.constant 16 : i32
      %mul3A_375 = arith.muli %scan3A_370, %mul3A_374 : i32
      %get3A_376 = arith.index_cast %mul3A_375 : i32 to index
      %get3A_377 = tpu.vector_load %arg8[%get3A_376] {strides = array<i32>} : memref<512xi32, #tpu.memory_space<vmem>>, vector<16xi32>,
      %mul3A_378 = arith.constant 16 : i32
      %mul3A_379 = arith.muli %scan3A_370, %mul3A_378 : i32
      %add3A_380 = arith.constant 4096 : i32
      %add3A_381 = arith.addi %add3A_380, %mul3A_379 : i32
      %add3A_382 = arith.constant 8000512 : i32
      %add3A_383 = vector.broadcast %add3A_382 : i32 to vector<16xi32>
      %add3A_384 = arith.addi %get3A_373, %add3A_383 : vector<16xi32>
      %swap3A = arith.index_cast %add3A_381 : i32 to index
      %swap3A_385 = tpu.vector_load %arg9[%swap3A] {strides = array<i32>} : memref<16384xi32, #tpu.memory_space<vmem>>, vector<16xi32>,
      tpu.vector_store %arg9[%swap3A], %add3A_384 {strides = array<i32>} : memref<16384xi32, #tpu.memory_space<vmem>>, vector<16xi32>,
      %add3A_386 = arith.constant 8000512 : i32
      %add3A_387 = vector.broadcast %add3A_386 : i32 to vector<16xi32>
      %add3A_388 = arith.addi %get3A_377, %add3A_387 : vector<16xi32>
      %swap3A_389 = arith.index_cast %add3A_381 : i32 to index
      %swap3A_390 = tpu.vector_load %arg10[%swap3A_389] {strides = array<i32>} : memref<16384xi32, #tpu.memory_space<vmem>>, vector<16xi32>,
      tpu.vector_store %arg10[%swap3A_389], %add3A_388 {strides = array<i32>} : memref<16384xi32, #tpu.memory_space<vmem>>, vector<16xi32>,
      %mul3A_391 = arith.constant 16 : i32
      %mul3A_392 = arith.muli %scan3A_370, %mul3A_391 : i32
      %add3A_393 = arith.constant 4608 : i32
      %add3A_394 = arith.addi %add3A_393, %mul3A_392 : i32
      %add3A_395 = arith.constant 8000640 : i32
      %add3A_396 = vector.broadcast %add3A_395 : i32 to vector<16xi32>
      %add3A_397 = arith.addi %get3A_373, %add3A_396 : vector<16xi32>
      %swap3A_398 = arith.index_cast %add3A_394 : i32 to index
      %swap3A_399 = tpu.vector_load %arg9[%swap3A_398] {strides = array<i32>} : memref<16384xi32, #tpu.memory_space<vmem>>, vector<16xi32>,
      tpu.vector_store %arg9[%swap3A_398], %add3A_397 {strides = array<i32>} : memref<16384xi32, #tpu.memory_space<vmem>>, vector<16xi32>,
      %add3A_400 = arith.constant 8000640 : i32
      %add3A_401 = vector.broadcast %add3A_400 : i32 to vector<16xi32>
      %add3A_402 = arith.addi %get3A_377, %add3A_401 : vector<16xi32>
      %swap3A_403 = arith.index_cast %add3A_394 : i32 to index
      %swap3A_404 = tpu.vector_load %arg10[%swap3A_403] {strides = array<i32>} : memref<16384xi32, #tpu.memory_space<vmem>>, vector<16xi32>,
      tpu.vector_store %arg10[%swap3A_403], %add3A_402 {strides = array<i32>} : memref<16384xi32, #tpu.memory_space<vmem>>, vector<16xi32>,
      %mul3A_405 = arith.constant 16 : i32
      %mul3A_406 = arith.muli %scan3A_370, %mul3A_405 : i32
      %add3A_407 = arith.constant 5120 : i32
      %add3A_408 = arith.addi %add3A_407, %mul3A_406 : i32
      %add3A_409 = arith.constant 8000768 : i32
      %add3A_410 = vector.broadcast %add3A_409 : i32 to vector<16xi32>
      %add3A_411 = arith.addi %get3A_373, %add3A_410 : vector<16xi32>
      %swap3A_412 = arith.index_cast %add3A_408 : i32 to index
      %swap3A_413 = tpu.vector_load %arg9[%swap3A_412] {strides = array<i32>} : memref<16384xi32, #tpu.memory_space<vmem>>, vector<16xi32>,
      tpu.vector_store %arg9[%swap3A_412], %add3A_411 {strides = array<i32>} : memref<16384xi32, #tpu.memory_space<vmem>>, vector<16xi32>,
      %add3A_414 = arith.constant 8000768 : i32
      %add3A_415 = vector.broadcast %add3A_414 : i32 to vector<16xi32>
      %add3A_416 = arith.addi %get3A_377, %add3A_415 : vector<16xi32>
      %swap3A_417 = arith.index_cast %add3A_408 : i32 to index
      %swap3A_418 = tpu.vector_load %arg10[%swap3A_417] {strides = array<i32>} : memref<16384xi32, #tpu.memory_space<vmem>>, vector<16xi32>,
      tpu.vector_store %arg10[%swap3A_417], %add3A_416 {strides = array<i32>} : memref<16384xi32, #tpu.memory_space<vmem>>, vector<16xi32>,
      %mul3A_419 = arith.constant 16 : i32
      %mul3A_420 = arith.muli %scan3A_370, %mul3A_419 : i32
      %add3A_421 = arith.constant 5632 : i32
      %add3A_422 = arith.addi %add3A_421, %mul3A_420 : i32
      %add3A_423 = arith.constant 8000896 : i32
      %add3A_424 = vector.broadcast %add3A_423 : i32 to vector<16xi32>
      %add3A_425 = arith.addi %get3A_373, %add3A_424 : vector<16xi32>
      %swap3A_426 = arith.index_cast %add3A_422 : i32 to index
      %swap3A_427 = tpu.vector_load %arg9[%swap3A_426] {strides = array<i32>} : memref<16384xi32, #tpu.memory_space<vmem>>, vector<16xi32>,
      tpu.vector_store %arg9[%swap3A_426], %add3A_425 {strides = array<i32>} : memref<16384xi32, #tpu.memory_space<vmem>>, vector<16xi32>,
      %add3A_428 = arith.constant 8000896 : i32
      %add3A_429 = vector.broadcast %add3A_428 : i32 to vector<16xi32>
      %add3A_430 = arith.addi %get3A_377, %add3A_429 : vector<16xi32>
      %swap3A_431 = arith.index_cast %add3A_422 : i32 to index
      %swap3A_432 = tpu.vector_load %arg10[%swap3A_431] {strides = array<i32>} : memref<16384xi32, #tpu.memory_space<vmem>>, vector<16xi32>,
      tpu.vector_store %arg10[%swap3A_431], %add3A_430 {strides = array<i32>} : memref<16384xi32, #tpu.memory_space<vmem>>, vector<16xi32>,
    }
    %scan3A_62 = arith.constant 32 : i32
    %dma_start3A_63 = tpu.reinterpret_cast %arg13 : memref<16x128xf32, #tpu.memory_space<vmem>> -> memref<2048x1xf32, #tpu.tiled<(1,1),[1,1]>, #tpu.memory_space<vmem>>
    %dma_start3A_64 = arith.constant 4096 : i32
    %dma_start3A_65 = tpu.memref_slice %arg9[%dma_start3A_64] : memref<16384xi32, #tpu.memory_space<vmem>> -> memref<2048xi32, #tpu.memory_space<vmem>>
    %dma_start3A_66 = tpu.reinterpret_cast %arg4 : memref<32x1000000xf32, #tpu.memory_space<hbm>> -> memref<32000000x1xf32, #tpu.tiled<(1,1),[1,1]>, #tpu.memory_space<hbm>>
    %dma_start3A_67 = arith.constant 0 : i32
    %dma_start3A_68 = arith.constant 0 : i32
    %dma_start3A_69 = tpu.memref_slice %dma_start3A_66[%dma_start3A_67, %dma_start3A_68] : memref<32000000x1xf32, #tpu.tiled<(1,1),[1,1]>, #tpu.memory_space<hbm>> -> memref<32000000x1xf32, #tpu.tiled<(1,1),[1,1]>, #tpu.memory_space<hbm>>
    %dma_start3A_70 = tpu.reinterpret_cast %dma_start3A_69 : memref<32000000x1xf32, #tpu.tiled<(1,1),[1,1]>, #tpu.memory_space<hbm>> -> memref<32000000x1xf32, #tpu.tiled<(1,1),[1,1]>, #tpu.memory_space<hbm>>
    tpu.enqueue_indirect_dma source(%dma_start3A_70 : memref<32000000x1xf32, #tpu.tiled<(1,1),[1,1]>, #tpu.memory_space<hbm>>) target(%dma_start3A_63 : memref<2048x1xf32, #tpu.tiled<(1,1),[1,1]>, #tpu.memory_space<vmem>>) offsets(%dma_start3A_65 : memref<2048xi32, #tpu.memory_space<vmem>>) semaphore(%arg20 : memref<!tpu.dma_semaphore, #tpu.memory_space<semaphore_mem>>)
    %dma_start3A_71 = tpu.reinterpret_cast %arg16 : memref<16x128xf32, #tpu.memory_space<vmem>> -> memref<2048x1xf32, #tpu.tiled<(1,1),[1,1]>, #tpu.memory_space<vmem>>
    %dma_start3A_72 = arith.constant 4096 : i32
    %dma_start3A_73 = tpu.memref_slice %arg10[%dma_start3A_72] : memref<16384xi32, #tpu.memory_space<vmem>> -> memref<2048xi32, #tpu.memory_space<vmem>>
    %dma_start3A_74 = tpu.reinterpret_cast %arg5 : memref<32x1000000xf32, #tpu.memory_space<hbm>> -> memref<32000000x1xf32, #tpu.tiled<(1,1),[1,1]>, #tpu.memory_space<hbm>>
    %dma_start3A_75 = arith.constant 0 : i32
    %dma_start3A_76 = arith.constant 0 : i32
    %dma_start3A_77 = tpu.memref_slice %dma_start3A_74[%dma_start3A_75, %dma_start3A_76] : memref<32000000x1xf32, #tpu.tiled<(1,1),[1,1]>, #tpu.memory_space<hbm>> -> memref<32000000x1xf32, #tpu.tiled<(1,1),[1,1]>, #tpu.memory_space<hbm>>
    %dma_start3A_78 = tpu.reinterpret_cast %dma_start3A_77 : memref<32000000x1xf32, #tpu.tiled<(1,1),[1,1]>, #tpu.memory_space<hbm>> -> memref<32000000x1xf32, #tpu.tiled<(1,1),[1,1]>, #tpu.memory_space<hbm>>
    tpu.enqueue_indirect_dma source(%dma_start3A_78 : memref<32000000x1xf32, #tpu.tiled<(1,1),[1,1]>, #tpu.memory_space<hbm>>) target(%dma_start3A_71 : memref<2048x1xf32, #tpu.tiled<(1,1),[1,1]>, #tpu.memory_space<vmem>>) offsets(%dma_start3A_73 : memref<2048xi32, #tpu.memory_space<vmem>>) semaphore(%arg23 : memref<!tpu.dma_semaphore, #tpu.memory_space<semaphore_mem>>)
    %dma_wait3A = tpu.reinterpret_cast %arg11 : memref<16x128xf32, #tpu.memory_space<vmem>> -> memref<2048x1xf32, #tpu.tiled<(1,1),[1,1]>, #tpu.memory_space<vmem>>
    %dma_wait3A_79 = arith.constant 0 : i32
    %dma_wait3A_80 = tpu.memref_slice %arg9[%dma_wait3A_79] : memref<16384xi32, #tpu.memory_space<vmem>> -> memref<2048xi32, #tpu.memory_space<vmem>>
    %dma_wait3A_81 = tpu.reinterpret_cast %arg4 : memref<32x1000000xf32, #tpu.memory_space<hbm>> -> memref<32000000x1xf32, #tpu.tiled<(1,1),[1,1]>, #tpu.memory_space<hbm>>
    %dma_wait3A_82 = arith.constant 0 : i32
    %dma_wait3A_83 = arith.constant 0 : i32
    %dma_wait3A_84 = tpu.memref_slice %dma_wait3A_81[%dma_wait3A_82, %dma_wait3A_83] : memref<32000000x1xf32, #tpu.tiled<(1,1),[1,1]>, #tpu.memory_space<hbm>> -> memref<32000000x1xf32, #tpu.tiled<(1,1),[1,1]>, #tpu.memory_space<hbm>>
    %dma_wait3A_85 = tpu.reinterpret_cast %dma_wait3A_84 : memref<32000000x1xf32, #tpu.tiled<(1,1),[1,1]>, #tpu.memory_space<hbm>> -> memref<32000000x1xf32, #tpu.tiled<(1,1),[1,1]>, #tpu.memory_space<hbm>>
    tpu.wait_indirect_dma semaphore(%arg18 : memref<!tpu.dma_semaphore, #tpu.memory_space<semaphore_mem>>) src(%dma_wait3A_85 : memref<32000000x1xf32, #tpu.tiled<(1,1),[1,1]>, #tpu.memory_space<hbm>>) dst(%dma_wait3A : memref<2048x1xf32, #tpu.tiled<(1,1),[1,1]>, #tpu.memory_space<vmem>>)
    %dma_wait3A_86 = tpu.reinterpret_cast %arg14 : memref<16x128xf32, #tpu.memory_space<vmem>> -> memref<2048x1xf32, #tpu.tiled<(1,1),[1,1]>, #tpu.memory_space<vmem>>
    %dma_wait3A_87 = arith.constant 0 : i32
    %dma_wait3A_88 = tpu.memref_slice %arg10[%dma_wait3A_87] : memref<16384xi32, #tpu.memory_space<vmem>> -> memref<2048xi32, #tpu.memory_space<vmem>>
    %dma_wait3A_89 = tpu.reinterpret_cast %arg5 : memref<32x1000000xf32, #tpu.memory_space<hbm>> -> memref<32000000x1xf32, #tpu.tiled<(1,1),[1,1]>, #tpu.memory_space<hbm>>
    %dma_wait3A_90 = arith.constant 0 : i32
    %dma_wait3A_91 = arith.constant 0 : i32
    %dma_wait3A_92 = tpu.memref_slice %dma_wait3A_89[%dma_wait3A_90, %dma_wait3A_91] : memref<32000000x1xf32, #tpu.tiled<(1,1),[1,1]>, #tpu.memory_space<hbm>> -> memref<32000000x1xf32, #tpu.tiled<(1,1),[1,1]>, #tpu.memory_space<hbm>>
    %dma_wait3A_93 = tpu.reinterpret_cast %dma_wait3A_92 : memref<32000000x1xf32, #tpu.tiled<(1,1),[1,1]>, #tpu.memory_space<hbm>> -> memref<32000000x1xf32, #tpu.tiled<(1,1),[1,1]>, #tpu.memory_space<hbm>>
    tpu.wait_indirect_dma semaphore(%arg21 : memref<!tpu.dma_semaphore, #tpu.memory_space<semaphore_mem>>) src(%dma_wait3A_93 : memref<32000000x1xf32, #tpu.tiled<(1,1),[1,1]>, #tpu.memory_space<hbm>>) dst(%dma_wait3A_86 : memref<2048x1xf32, #tpu.tiled<(1,1),[1,1]>, #tpu.memory_space<vmem>>)
    %scan3A_94 = arith.constant 0 : i32
    %scan3A_95 = arith.constant 0 : i32
    %scan3A_96 = arith.constant 32 : i32
    %scan3A_97 = arith.addi %scan3A_95, %scan3A_96 : i32
    %scan3A_98 = arith.constant 1 : i32
    scf.for %scan3A_370 = %scan3A_95 to %scan3A_97 step %scan3A_98  : i32 {
      %mul3A_371 = arith.constant 16 : i32
      %mul3A_372 = arith.muli %scan3A_370, %mul3A_371 : i32
      %get3A = arith.index_cast %mul3A_372 : i32 to index
      %get3A_373 = tpu.vector_load %arg7[%get3A] {strides = array<i32>} : memref<512xi32, #tpu.memory_space<vmem>>, vector<16xi32>,
      %mul3A_374 = arith.constant 16 : i32
      %mul3A_375 = arith.muli %scan3A_370, %mul3A_374 : i32
      %get3A_376 = arith.index_cast %mul3A_375 : i32 to index
      %get3A_377 = tpu.vector_load %arg8[%get3A_376] {strides = array<i32>} : memref<512xi32, #tpu.memory_space<vmem>>, vector<16xi32>,
      %mul3A_378 = arith.constant 16 : i32
      %mul3A_379 = arith.muli %scan3A_370, %mul3A_378 : i32
      %add3A_380 = arith.constant 6144 : i32
      %add3A_381 = arith.addi %add3A_380, %mul3A_379 : i32
      %add3A_382 = arith.constant 8001024 : i32
      %add3A_383 = vector.broadcast %add3A_382 : i32 to vector<16xi32>
      %add3A_384 = arith.addi %get3A_373, %add3A_383 : vector<16xi32>
      %swap3A = arith.index_cast %add3A_381 : i32 to index
      %swap3A_385 = tpu.vector_load %arg9[%swap3A] {strides = array<i32>} : memref<16384xi32, #tpu.memory_space<vmem>>, vector<16xi32>,
      tpu.vector_store %arg9[%swap3A], %add3A_384 {strides = array<i32>} : memref<16384xi32, #tpu.memory_space<vmem>>, vector<16xi32>,
      %add3A_386 = arith.constant 8001024 : i32
      %add3A_387 = vector.broadcast %add3A_386 : i32 to vector<16xi32>
      %add3A_388 = arith.addi %get3A_377, %add3A_387 : vector<16xi32>
      %swap3A_389 = arith.index_cast %add3A_381 : i32 to index
      %swap3A_390 = tpu.vector_load %arg10[%swap3A_389] {strides = array<i32>} : memref<16384xi32, #tpu.memory_space<vmem>>, vector<16xi32>,
      tpu.vector_store %arg10[%swap3A_389], %add3A_388 {strides = array<i32>} : memref<16384xi32, #tpu.memory_space<vmem>>, vector<16xi32>,
      %mul3A_391 = arith.constant 16 : i32
      %mul3A_392 = arith.muli %scan3A_370, %mul3A_391 : i32
      %add3A_393 = arith.constant 6656 : i32
      %add3A_394 = arith.addi %add3A_393, %mul3A_392 : i32
      %add3A_395 = arith.constant 8001152 : i32
      %add3A_396 = vector.broadcast %add3A_395 : i32 to vector<16xi32>
      %add3A_397 = arith.addi %get3A_373, %add3A_396 : vector<16xi32>
      %swap3A_398 = arith.index_cast %add3A_394 : i32 to index
      %swap3A_399 = tpu.vector_load %arg9[%swap3A_398] {strides = array<i32>} : memref<16384xi32, #tpu.memory_space<vmem>>, vector<16xi32>,
      tpu.vector_store %arg9[%swap3A_398], %add3A_397 {strides = array<i32>} : memref<16384xi32, #tpu.memory_space<vmem>>, vector<16xi32>,
      %add3A_400 = arith.constant 8001152 : i32
      %add3A_401 = vector.broadcast %add3A_400 : i32 to vector<16xi32>
      %add3A_402 = arith.addi %get3A_377, %add3A_401 : vector<16xi32>
      %swap3A_403 = arith.index_cast %add3A_394 : i32 to index
      %swap3A_404 = tpu.vector_load %arg10[%swap3A_403] {strides = array<i32>} : memref<16384xi32, #tpu.memory_space<vmem>>, vector<16xi32>,
      tpu.vector_store %arg10[%swap3A_403], %add3A_402 {strides = array<i32>} : memref<16384xi32, #tpu.memory_space<vmem>>, vector<16xi32>,
      %mul3A_405 = arith.constant 16 : i32
      %mul3A_406 = arith.muli %scan3A_370, %mul3A_405 : i32
      %add3A_407 = arith.constant 7168 : i32
      %add3A_408 = arith.addi %add3A_407, %mul3A_406 : i32
      %add3A_409 = arith.constant 8001280 : i32
      %add3A_410 = vector.broadcast %add3A_409 : i32 to vector<16xi32>
      %add3A_411 = arith.addi %get3A_373, %add3A_410 : vector<16xi32>
      %swap3A_412 = arith.index_cast %add3A_408 : i32 to index
      %swap3A_413 = tpu.vector_load %arg9[%swap3A_412] {strides = array<i32>} : memref<16384xi32, #tpu.memory_space<vmem>>, vector<16xi32>,
      tpu.vector_store %arg9[%swap3A_412], %add3A_411 {strides = array<i32>} : memref<16384xi32, #tpu.memory_space<vmem>>, vector<16xi32>,
      %add3A_414 = arith.constant 8001280 : i32
      %add3A_415 = vector.broadcast %add3A_414 : i32 to vector<16xi32>
      %add3A_416 = arith.addi %get3A_377, %add3A_415 : vector<16xi32>
      %swap3A_417 = arith.index_cast %add3A_408 : i32 to index
      %swap3A_418 = tpu.vector_load %arg10[%swap3A_417] {strides = array<i32>} : memref<16384xi32, #tpu.memory_space<vmem>>, vector<16xi32>,
      tpu.vector_store %arg10[%swap3A_417], %add3A_416 {strides = array<i32>} : memref<16384xi32, #tpu.memory_space<vmem>>, vector<16xi32>,
      %mul3A_419 = arith.constant 16 : i32
      %mul3A_420 = arith.muli %scan3A_370, %mul3A_419 : i32
      %add3A_421 = arith.constant 7680 : i32
      %add3A_422 = arith.addi %add3A_421, %mul3A_420 : i32
      %add3A_423 = arith.constant 8001408 : i32
      %add3A_424 = vector.broadcast %add3A_423 : i32 to vector<16xi32>
      %add3A_425 = arith.addi %get3A_373, %add3A_424 : vector<16xi32>
      %swap3A_426 = arith.index_cast %add3A_422 : i32 to index
      %swap3A_427 = tpu.vector_load %arg9[%swap3A_426] {strides = array<i32>} : memref<16384xi32, #tpu.memory_space<vmem>>, vector<16xi32>,
      tpu.vector_store %arg9[%swap3A_426], %add3A_425 {strides = array<i32>} : memref<16384xi32, #tpu.memory_space<vmem>>, vector<16xi32>,
      %add3A_428 = arith.constant 8001408 : i32
      %add3A_429 = vector.broadcast %add3A_428 : i32 to vector<16xi32>
      %add3A_430 = arith.addi %get3A_377, %add3A_429 : vector<16xi32>
      %swap3A_431 = arith.index_cast %add3A_422 : i32 to index
      %swap3A_432 = tpu.vector_load %arg10[%swap3A_431] {strides = array<i32>} : memref<16384xi32, #tpu.memory_space<vmem>>, vector<16xi32>,
      tpu.vector_store %arg10[%swap3A_431], %add3A_430 {strides = array<i32>} : memref<16384xi32, #tpu.memory_space<vmem>>, vector<16xi32>,
    }
    %scan3A_99 = arith.constant 32 : i32
    %scan3A_100 = arith.constant 0 : i32
    %scan3A_101 = arith.constant 0 : i32
    %scan3A_102 = arith.constant 128 : i32
    %scan3A_103 = arith.addi %scan3A_101, %scan3A_102 : i32
    %scan3A_104 = arith.constant 1 : i32
    scf.for %scan3A_370 = %scan3A_101 to %scan3A_103 step %scan3A_104  : i32 {
      %mul3A_371 = arith.constant 16 : i32
      %mul3A_372 = arith.muli %scan3A_370, %mul3A_371 : i32
      %shift_right_arithmetic3A = arith.constant 7 : i32
      %shift_right_arithmetic3A_373 = arith.shrsi %mul3A_372, %shift_right_arithmetic3A : i32
      %and3A = arith.constant 127 : i32
      %and3A_374 = arith.andi %mul3A_372, %and3A : i32
      %get3A = arith.index_cast %shift_right_arithmetic3A_373 : i32 to index
      %get3A_375 = arith.index_cast %and3A_374 : i32 to index
      %get3A_376 = tpu.vector_load %arg11[%get3A, %get3A_375] {strides = array<i32>} : memref<16x128xf32, #tpu.memory_space<vmem>>, vector<16xf32>,
      %get3A_377 = arith.index_cast %shift_right_arithmetic3A_373 : i32 to index
      %get3A_378 = arith.index_cast %and3A_374 : i32 to index
      %get3A_379 = tpu.vector_load %arg14[%get3A_377, %get3A_378] {strides = array<i32>} : memref<16x128xf32, #tpu.memory_space<vmem>>, vector<16xf32>,
      %and3A_380 = arith.constant 511 : i32
      %and3A_381 = arith.andi %mul3A_372, %and3A_380 : i32
      %get3A_382 = arith.index_cast %and3A_381 : i32 to index
      %get3A_383 = tpu.vector_load %arg17[%get3A_382] {strides = array<i32>} : memref<512xf32, #tpu.memory_space<vmem>>, vector<16xf32>,
      %mul3A_384 = arith.mulf %get3A_376, %get3A_379 : vector<16xf32>
      %add3A_385 = arith.addf %get3A_383, %mul3A_384 : vector<16xf32>
      %swap3A = arith.index_cast %and3A_381 : i32 to index
      %swap3A_386 = tpu.vector_load %arg17[%swap3A] {strides = array<i32>} : memref<512xf32, #tpu.memory_space<vmem>>, vector<16xf32>,
      tpu.vector_store %arg17[%swap3A], %add3A_385 {strides = array<i32>} : memref<512xf32, #tpu.memory_space<vmem>>, vector<16xf32>,
    }
    %scan3A_105 = arith.constant 128 : i32
    %dma_start3A_106 = tpu.reinterpret_cast %arg11 : memref<16x128xf32, #tpu.memory_space<vmem>> -> memref<2048x1xf32, #tpu.tiled<(1,1),[1,1]>, #tpu.memory_space<vmem>>
    %dma_start3A_107 = arith.constant 6144 : i32
    %dma_start3A_108 = tpu.memref_slice %arg9[%dma_start3A_107] : memref<16384xi32, #tpu.memory_space<vmem>> -> memref<2048xi32, #tpu.memory_space<vmem>>
    %dma_start3A_109 = tpu.reinterpret_cast %arg4 : memref<32x1000000xf32, #tpu.memory_space<hbm>> -> memref<32000000x1xf32, #tpu.tiled<(1,1),[1,1]>, #tpu.memory_space<hbm>>
    %dma_start3A_110 = arith.constant 0 : i32
    %dma_start3A_111 = arith.constant 0 : i32
    %dma_start3A_112 = tpu.memref_slice %dma_start3A_109[%dma_start3A_110, %dma_start3A_111] : memref<32000000x1xf32, #tpu.tiled<(1,1),[1,1]>, #tpu.memory_space<hbm>> -> memref<32000000x1xf32, #tpu.tiled<(1,1),[1,1]>, #tpu.memory_space<hbm>>
    %dma_start3A_113 = tpu.reinterpret_cast %dma_start3A_112 : memref<32000000x1xf32, #tpu.tiled<(1,1),[1,1]>, #tpu.memory_space<hbm>> -> memref<32000000x1xf32, #tpu.tiled<(1,1),[1,1]>, #tpu.memory_space<hbm>>
    tpu.enqueue_indirect_dma source(%dma_start3A_113 : memref<32000000x1xf32, #tpu.tiled<(1,1),[1,1]>, #tpu.memory_space<hbm>>) target(%dma_start3A_106 : memref<2048x1xf32, #tpu.tiled<(1,1),[1,1]>, #tpu.memory_space<vmem>>) offsets(%dma_start3A_108 : memref<2048xi32, #tpu.memory_space<vmem>>) semaphore(%arg18 : memref<!tpu.dma_semaphore, #tpu.memory_space<semaphore_mem>>)
    %dma_start3A_114 = tpu.reinterpret_cast %arg14 : memref<16x128xf32, #tpu.memory_space<vmem>> -> memref<2048x1xf32, #tpu.tiled<(1,1),[1,1]>, #tpu.memory_space<vmem>>
    %dma_start3A_115 = arith.constant 6144 : i32
    %dma_start3A_116 = tpu.memref_slice %arg10[%dma_start3A_115] : memref<16384xi32, #tpu.memory_space<vmem>> -> memref<2048xi32, #tpu.memory_space<vmem>>
    %dma_start3A_117 = tpu.reinterpret_cast %arg5 : memref<32x1000000xf32, #tpu.memory_space<hbm>> -> memref<32000000x1xf32, #tpu.tiled<(1,1),[1,1]>, #tpu.memory_space<hbm>>
    %dma_start3A_118 = arith.constant 0 : i32
    %dma_start3A_119 = arith.constant 0 : i32
    %dma_start3A_120 = tpu.memref_slice %dma_start3A_117[%dma_start3A_118, %dma_start3A_119] : memref<32000000x1xf32, #tpu.tiled<(1,1),[1,1]>, #tpu.memory_space<hbm>> -> memref<32000000x1xf32, #tpu.tiled<(1,1),[1,1]>, #tpu.memory_space<hbm>>
    %dma_start3A_121 = tpu.reinterpret_cast %dma_start3A_120 : memref<32000000x1xf32, #tpu.tiled<(1,1),[1,1]>, #tpu.memory_space<hbm>> -> memref<32000000x1xf32, #tpu.tiled<(1,1),[1,1]>, #tpu.memory_space<hbm>>
    tpu.enqueue_indirect_dma source(%dma_start3A_121 : memref<32000000x1xf32, #tpu.tiled<(1,1),[1,1]>, #tpu.memory_space<hbm>>) target(%dma_start3A_114 : memref<2048x1xf32, #tpu.tiled<(1,1),[1,1]>, #tpu.memory_space<vmem>>) offsets(%dma_start3A_116 : memref<2048xi32, #tpu.memory_space<vmem>>) semaphore(%arg21 : memref<!tpu.dma_semaphore, #tpu.memory_space<semaphore_mem>>)
    %dma_wait3A_122 = tpu.reinterpret_cast %arg12 : memref<16x128xf32, #tpu.memory_space<vmem>> -> memref<2048x1xf32, #tpu.tiled<(1,1),[1,1]>, #tpu.memory_space<vmem>>
    %dma_wait3A_123 = arith.constant 2048 : i32
    %dma_wait3A_124 = tpu.memref_slice %arg9[%dma_wait3A_123] : memref<16384xi32, #tpu.memory_space<vmem>> -> memref<2048xi32, #tpu.memory_space<vmem>>
    %dma_wait3A_125 = tpu.reinterpret_cast %arg4 : memref<32x1000000xf32, #tpu.memory_space<hbm>> -> memref<32000000x1xf32, #tpu.tiled<(1,1),[1,1]>, #tpu.memory_space<hbm>>
    %dma_wait3A_126 = arith.constant 0 : i32
    %dma_wait3A_127 = arith.constant 0 : i32
    %dma_wait3A_128 = tpu.memref_slice %dma_wait3A_125[%dma_wait3A_126, %dma_wait3A_127] : memref<32000000x1xf32, #tpu.tiled<(1,1),[1,1]>, #tpu.memory_space<hbm>> -> memref<32000000x1xf32, #tpu.tiled<(1,1),[1,1]>, #tpu.memory_space<hbm>>
    %dma_wait3A_129 = tpu.reinterpret_cast %dma_wait3A_128 : memref<32000000x1xf32, #tpu.tiled<(1,1),[1,1]>, #tpu.memory_space<hbm>> -> memref<32000000x1xf32, #tpu.tiled<(1,1),[1,1]>, #tpu.memory_space<hbm>>
    tpu.wait_indirect_dma semaphore(%arg19 : memref<!tpu.dma_semaphore, #tpu.memory_space<semaphore_mem>>) src(%dma_wait3A_129 : memref<32000000x1xf32, #tpu.tiled<(1,1),[1,1]>, #tpu.memory_space<hbm>>) dst(%dma_wait3A_122 : memref<2048x1xf32, #tpu.tiled<(1,1),[1,1]>, #tpu.memory_space<vmem>>)
    %dma_wait3A_130 = tpu.reinterpret_cast %arg15 : memref<16x128xf32, #tpu.memory_space<vmem>> -> memref<2048x1xf32, #tpu.tiled<(1,1),[1,1]>, #tpu.memory_space<vmem>>
    %dma_wait3A_131 = arith.constant 2048 : i32
    %dma_wait3A_132 = tpu.memref_slice %arg10[%dma_wait3A_131] : memref<16384xi32, #tpu.memory_space<vmem>> -> memref<2048xi32, #tpu.memory_space<vmem>>
    %dma_wait3A_133 = tpu.reinterpret_cast %arg5 : memref<32x1000000xf32, #tpu.memory_space<hbm>> -> memref<32000000x1xf32, #tpu.tiled<(1,1),[1,1]>, #tpu.memory_space<hbm>>
    %dma_wait3A_134 = arith.constant 0 : i32
    %dma_wait3A_135 = arith.constant 0 : i32
    %dma_wait3A_136 = tpu.memref_slice %dma_wait3A_133[%dma_wait3A_134, %dma_wait3A_135] : memref<32000000x1xf32, #tpu.tiled<(1,1),[1,1]>, #tpu.memory_space<hbm>> -> memref<32000000x1xf32, #tpu.tiled<(1,1),[1,1]>, #tpu.memory_space<hbm>>
    %dma_wait3A_137 = tpu.reinterpret_cast %dma_wait3A_136 : memref<32000000x1xf32, #tpu.tiled<(1,1),[1,1]>, #tpu.memory_space<hbm>> -> memref<32000000x1xf32, #tpu.tiled<(1,1),[1,1]>, #tpu.memory_space<hbm>>
    tpu.wait_indirect_dma semaphore(%arg22 : memref<!tpu.dma_semaphore, #tpu.memory_space<semaphore_mem>>) src(%dma_wait3A_137 : memref<32000000x1xf32, #tpu.tiled<(1,1),[1,1]>, #tpu.memory_space<hbm>>) dst(%dma_wait3A_130 : memref<2048x1xf32, #tpu.tiled<(1,1),[1,1]>, #tpu.memory_space<vmem>>)
    %scan3A_138 = arith.constant 0 : i32
    %scan3A_139 = arith.constant 0 : i32
    %scan3A_140 = arith.constant 32 : i32
    %scan3A_141 = arith.addi %scan3A_139, %scan3A_140 : i32
    %scan3A_142 = arith.constant 1 : i32
    scf.for %scan3A_370 = %scan3A_139 to %scan3A_141 step %scan3A_142  : i32 {
      %mul3A_371 = arith.constant 16 : i32
      %mul3A_372 = arith.muli %scan3A_370, %mul3A_371 : i32
      %get3A = arith.index_cast %mul3A_372 : i32 to index
      %get3A_373 = tpu.vector_load %arg7[%get3A] {strides = array<i32>} : memref<512xi32, #tpu.memory_space<vmem>>, vector<16xi32>,
      %mul3A_374 = arith.constant 16 : i32
      %mul3A_375 = arith.muli %scan3A_370, %mul3A_374 : i32
      %get3A_376 = arith.index_cast %mul3A_375 : i32 to index
      %get3A_377 = tpu.vector_load %arg8[%get3A_376] {strides = array<i32>} : memref<512xi32, #tpu.memory_space<vmem>>, vector<16xi32>,
      %mul3A_378 = arith.constant 16 : i32
      %mul3A_379 = arith.muli %scan3A_370, %mul3A_378 : i32
      %add3A_380 = arith.constant 8192 : i32
      %add3A_381 = arith.addi %add3A_380, %mul3A_379 : i32
      %add3A_382 = arith.constant 16001024 : i32
      %add3A_383 = vector.broadcast %add3A_382 : i32 to vector<16xi32>
      %add3A_384 = arith.addi %get3A_373, %add3A_383 : vector<16xi32>
      %swap3A = arith.index_cast %add3A_381 : i32 to index
      %swap3A_385 = tpu.vector_load %arg9[%swap3A] {strides = array<i32>} : memref<16384xi32, #tpu.memory_space<vmem>>, vector<16xi32>,
      tpu.vector_store %arg9[%swap3A], %add3A_384 {strides = array<i32>} : memref<16384xi32, #tpu.memory_space<vmem>>, vector<16xi32>,
      %add3A_386 = arith.constant 16001024 : i32
      %add3A_387 = vector.broadcast %add3A_386 : i32 to vector<16xi32>
      %add3A_388 = arith.addi %get3A_377, %add3A_387 : vector<16xi32>
      %swap3A_389 = arith.index_cast %add3A_381 : i32 to index
      %swap3A_390 = tpu.vector_load %arg10[%swap3A_389] {strides = array<i32>} : memref<16384xi32, #tpu.memory_space<vmem>>, vector<16xi32>,
      tpu.vector_store %arg10[%swap3A_389], %add3A_388 {strides = array<i32>} : memref<16384xi32, #tpu.memory_space<vmem>>, vector<16xi32>,
      %mul3A_391 = arith.constant 16 : i32
      %mul3A_392 = arith.muli %scan3A_370, %mul3A_391 : i32
      %add3A_393 = arith.constant 8704 : i32
      %add3A_394 = arith.addi %add3A_393, %mul3A_392 : i32
      %add3A_395 = arith.constant 16001152 : i32
      %add3A_396 = vector.broadcast %add3A_395 : i32 to vector<16xi32>
      %add3A_397 = arith.addi %get3A_373, %add3A_396 : vector<16xi32>
      %swap3A_398 = arith.index_cast %add3A_394 : i32 to index
      %swap3A_399 = tpu.vector_load %arg9[%swap3A_398] {strides = array<i32>} : memref<16384xi32, #tpu.memory_space<vmem>>, vector<16xi32>,
      tpu.vector_store %arg9[%swap3A_398], %add3A_397 {strides = array<i32>} : memref<16384xi32, #tpu.memory_space<vmem>>, vector<16xi32>,
      %add3A_400 = arith.constant 16001152 : i32
      %add3A_401 = vector.broadcast %add3A_400 : i32 to vector<16xi32>
      %add3A_402 = arith.addi %get3A_377, %add3A_401 : vector<16xi32>
      %swap3A_403 = arith.index_cast %add3A_394 : i32 to index
      %swap3A_404 = tpu.vector_load %arg10[%swap3A_403] {strides = array<i32>} : memref<16384xi32, #tpu.memory_space<vmem>>, vector<16xi32>,
      tpu.vector_store %arg10[%swap3A_403], %add3A_402 {strides = array<i32>} : memref<16384xi32, #tpu.memory_space<vmem>>, vector<16xi32>,
      %mul3A_405 = arith.constant 16 : i32
      %mul3A_406 = arith.muli %scan3A_370, %mul3A_405 : i32
      %add3A_407 = arith.constant 9216 : i32
      %add3A_408 = arith.addi %add3A_407, %mul3A_406 : i32
      %add3A_409 = arith.constant 16001280 : i32
      %add3A_410 = vector.broadcast %add3A_409 : i32 to vector<16xi32>
      %add3A_411 = arith.addi %get3A_373, %add3A_410 : vector<16xi32>
      %swap3A_412 = arith.index_cast %add3A_408 : i32 to index
      %swap3A_413 = tpu.vector_load %arg9[%swap3A_412] {strides = array<i32>} : memref<16384xi32, #tpu.memory_space<vmem>>, vector<16xi32>,
      tpu.vector_store %arg9[%swap3A_412], %add3A_411 {strides = array<i32>} : memref<16384xi32, #tpu.memory_space<vmem>>, vector<16xi32>,
      %add3A_414 = arith.constant 16001280 : i32
      %add3A_415 = vector.broadcast %add3A_414 : i32 to vector<16xi32>
      %add3A_416 = arith.addi %get3A_377, %add3A_415 : vector<16xi32>
      %swap3A_417 = arith.index_cast %add3A_408 : i32 to index
      %swap3A_418 = tpu.vector_load %arg10[%swap3A_417] {strides = array<i32>} : memref<16384xi32, #tpu.memory_space<vmem>>, vector<16xi32>,
      tpu.vector_store %arg10[%swap3A_417], %add3A_416 {strides = array<i32>} : memref<16384xi32, #tpu.memory_space<vmem>>, vector<16xi32>,
      %mul3A_419 = arith.constant 16 : i32
      %mul3A_420 = arith.muli %scan3A_370, %mul3A_419 : i32
      %add3A_421 = arith.constant 9728 : i32
      %add3A_422 = arith.addi %add3A_421, %mul3A_420 : i32
      %add3A_423 = arith.constant 16001408 : i32
      %add3A_424 = vector.broadcast %add3A_423 : i32 to vector<16xi32>
      %add3A_425 = arith.addi %get3A_373, %add3A_424 : vector<16xi32>
      %swap3A_426 = arith.index_cast %add3A_422 : i32 to index
      %swap3A_427 = tpu.vector_load %arg9[%swap3A_426] {strides = array<i32>} : memref<16384xi32, #tpu.memory_space<vmem>>, vector<16xi32>,
      tpu.vector_store %arg9[%swap3A_426], %add3A_425 {strides = array<i32>} : memref<16384xi32, #tpu.memory_space<vmem>>, vector<16xi32>,
      %add3A_428 = arith.constant 16001408 : i32
      %add3A_429 = vector.broadcast %add3A_428 : i32 to vector<16xi32>
      %add3A_430 = arith.addi %get3A_377, %add3A_429 : vector<16xi32>
      %swap3A_431 = arith.index_cast %add3A_422 : i32 to index
      %swap3A_432 = tpu.vector_load %arg10[%swap3A_431] {strides = array<i32>} : memref<16384xi32, #tpu.memory_space<vmem>>, vector<16xi32>,
      tpu.vector_store %arg10[%swap3A_431], %add3A_430 {strides = array<i32>} : memref<16384xi32, #tpu.memory_space<vmem>>, vector<16xi32>,
    }
    %scan3A_143 = arith.constant 32 : i32
    %scan3A_144 = arith.constant 0 : i32
    %scan3A_145 = arith.constant 0 : i32
    %scan3A_146 = arith.constant 128 : i32
    %scan3A_147 = arith.addi %scan3A_145, %scan3A_146 : i32
    %scan3A_148 = arith.constant 1 : i32
    scf.for %scan3A_370 = %scan3A_145 to %scan3A_147 step %scan3A_148  : i32 {
      %mul3A_371 = arith.constant 16 : i32
      %mul3A_372 = arith.muli %scan3A_370, %mul3A_371 : i32
      %shift_right_arithmetic3A = arith.constant 7 : i32
      %shift_right_arithmetic3A_373 = arith.shrsi %mul3A_372, %shift_right_arithmetic3A : i32
      %and3A = arith.constant 127 : i32
      %and3A_374 = arith.andi %mul3A_372, %and3A : i32
      %get3A = arith.index_cast %shift_right_arithmetic3A_373 : i32 to index
      %get3A_375 = arith.index_cast %and3A_374 : i32 to index
      %get3A_376 = tpu.vector_load %arg12[%get3A, %get3A_375] {strides = array<i32>} : memref<16x128xf32, #tpu.memory_space<vmem>>, vector<16xf32>,
      %get3A_377 = arith.index_cast %shift_right_arithmetic3A_373 : i32 to index
      %get3A_378 = arith.index_cast %and3A_374 : i32 to index
      %get3A_379 = tpu.vector_load %arg15[%get3A_377, %get3A_378] {strides = array<i32>} : memref<16x128xf32, #tpu.memory_space<vmem>>, vector<16xf32>,
      %and3A_380 = arith.constant 511 : i32
      %and3A_381 = arith.andi %mul3A_372, %and3A_380 : i32
      %get3A_382 = arith.index_cast %and3A_381 : i32 to index
      %get3A_383 = tpu.vector_load %arg17[%get3A_382] {strides = array<i32>} : memref<512xf32, #tpu.memory_space<vmem>>, vector<16xf32>,
      %mul3A_384 = arith.mulf %get3A_376, %get3A_379 : vector<16xf32>
      %add3A_385 = arith.addf %get3A_383, %mul3A_384 : vector<16xf32>
      %swap3A = arith.index_cast %and3A_381 : i32 to index
      %swap3A_386 = tpu.vector_load %arg17[%swap3A] {strides = array<i32>} : memref<512xf32, #tpu.memory_space<vmem>>, vector<16xf32>,
      tpu.vector_store %arg17[%swap3A], %add3A_385 {strides = array<i32>} : memref<512xf32, #tpu.memory_space<vmem>>, vector<16xf32>,
    }
    %scan3A_149 = arith.constant 128 : i32
    %dma_start3A_150 = tpu.reinterpret_cast %arg12 : memref<16x128xf32, #tpu.memory_space<vmem>> -> memref<2048x1xf32, #tpu.tiled<(1,1),[1,1]>, #tpu.memory_space<vmem>>
    %dma_start3A_151 = arith.constant 8192 : i32
    %dma_start3A_152 = tpu.memref_slice %arg9[%dma_start3A_151] : memref<16384xi32, #tpu.memory_space<vmem>> -> memref<2048xi32, #tpu.memory_space<vmem>>
    %dma_start3A_153 = tpu.reinterpret_cast %arg4 : memref<32x1000000xf32, #tpu.memory_space<hbm>> -> memref<32000000x1xf32, #tpu.tiled<(1,1),[1,1]>, #tpu.memory_space<hbm>>
    %dma_start3A_154 = arith.constant 0 : i32
    %dma_start3A_155 = arith.constant 0 : i32
    %dma_start3A_156 = tpu.memref_slice %dma_start3A_153[%dma_start3A_154, %dma_start3A_155] : memref<32000000x1xf32, #tpu.tiled<(1,1),[1,1]>, #tpu.memory_space<hbm>> -> memref<32000000x1xf32, #tpu.tiled<(1,1),[1,1]>, #tpu.memory_space<hbm>>
    %dma_start3A_157 = tpu.reinterpret_cast %dma_start3A_156 : memref<32000000x1xf32, #tpu.tiled<(1,1),[1,1]>, #tpu.memory_space<hbm>> -> memref<32000000x1xf32, #tpu.tiled<(1,1),[1,1]>, #tpu.memory_space<hbm>>
    tpu.enqueue_indirect_dma source(%dma_start3A_157 : memref<32000000x1xf32, #tpu.tiled<(1,1),[1,1]>, #tpu.memory_space<hbm>>) target(%dma_start3A_150 : memref<2048x1xf32, #tpu.tiled<(1,1),[1,1]>, #tpu.memory_space<vmem>>) offsets(%dma_start3A_152 : memref<2048xi32, #tpu.memory_space<vmem>>) semaphore(%arg19 : memref<!tpu.dma_semaphore, #tpu.memory_space<semaphore_mem>>)
    %dma_start3A_158 = tpu.reinterpret_cast %arg15 : memref<16x128xf32, #tpu.memory_space<vmem>> -> memref<2048x1xf32, #tpu.tiled<(1,1),[1,1]>, #tpu.memory_space<vmem>>
    %dma_start3A_159 = arith.constant 8192 : i32
    %dma_start3A_160 = tpu.memref_slice %arg10[%dma_start3A_159] : memref<16384xi32, #tpu.memory_space<vmem>> -> memref<2048xi32, #tpu.memory_space<vmem>>
    %dma_start3A_161 = tpu.reinterpret_cast %arg5 : memref<32x1000000xf32, #tpu.memory_space<hbm>> -> memref<32000000x1xf32, #tpu.tiled<(1,1),[1,1]>, #tpu.memory_space<hbm>>
    %dma_start3A_162 = arith.constant 0 : i32
    %dma_start3A_163 = arith.constant 0 : i32
    %dma_start3A_164 = tpu.memref_slice %dma_start3A_161[%dma_start3A_162, %dma_start3A_163] : memref<32000000x1xf32, #tpu.tiled<(1,1),[1,1]>, #tpu.memory_space<hbm>> -> memref<32000000x1xf32, #tpu.tiled<(1,1),[1,1]>, #tpu.memory_space<hbm>>
    %dma_start3A_165 = tpu.reinterpret_cast %dma_start3A_164 : memref<32000000x1xf32, #tpu.tiled<(1,1),[1,1]>, #tpu.memory_space<hbm>> -> memref<32000000x1xf32, #tpu.tiled<(1,1),[1,1]>, #tpu.memory_space<hbm>>
    tpu.enqueue_indirect_dma source(%dma_start3A_165 : memref<32000000x1xf32, #tpu.tiled<(1,1),[1,1]>, #tpu.memory_space<hbm>>) target(%dma_start3A_158 : memref<2048x1xf32, #tpu.tiled<(1,1),[1,1]>, #tpu.memory_space<vmem>>) offsets(%dma_start3A_160 : memref<2048xi32, #tpu.memory_space<vmem>>) semaphore(%arg22 : memref<!tpu.dma_semaphore, #tpu.memory_space<semaphore_mem>>)
    %dma_wait3A_166 = tpu.reinterpret_cast %arg13 : memref<16x128xf32, #tpu.memory_space<vmem>> -> memref<2048x1xf32, #tpu.tiled<(1,1),[1,1]>, #tpu.memory_space<vmem>>
    %dma_wait3A_167 = arith.constant 4096 : i32
    %dma_wait3A_168 = tpu.memref_slice %arg9[%dma_wait3A_167] : memref<16384xi32, #tpu.memory_space<vmem>> -> memref<2048xi32, #tpu.memory_space<vmem>>
    %dma_wait3A_169 = tpu.reinterpret_cast %arg4 : memref<32x1000000xf32, #tpu.memory_space<hbm>> -> memref<32000000x1xf32, #tpu.tiled<(1,1),[1,1]>, #tpu.memory_space<hbm>>
    %dma_wait3A_170 = arith.constant 0 : i32
    %dma_wait3A_171 = arith.constant 0 : i32
    %dma_wait3A_172 = tpu.memref_slice %dma_wait3A_169[%dma_wait3A_170, %dma_wait3A_171] : memref<32000000x1xf32, #tpu.tiled<(1,1),[1,1]>, #tpu.memory_space<hbm>> -> memref<32000000x1xf32, #tpu.tiled<(1,1),[1,1]>, #tpu.memory_space<hbm>>
    %dma_wait3A_173 = tpu.reinterpret_cast %dma_wait3A_172 : memref<32000000x1xf32, #tpu.tiled<(1,1),[1,1]>, #tpu.memory_space<hbm>> -> memref<32000000x1xf32, #tpu.tiled<(1,1),[1,1]>, #tpu.memory_space<hbm>>
    tpu.wait_indirect_dma semaphore(%arg20 : memref<!tpu.dma_semaphore, #tpu.memory_space<semaphore_mem>>) src(%dma_wait3A_173 : memref<32000000x1xf32, #tpu.tiled<(1,1),[1,1]>, #tpu.memory_space<hbm>>) dst(%dma_wait3A_166 : memref<2048x1xf32, #tpu.tiled<(1,1),[1,1]>, #tpu.memory_space<vmem>>)
    %dma_wait3A_174 = tpu.reinterpret_cast %arg16 : memref<16x128xf32, #tpu.memory_space<vmem>> -> memref<2048x1xf32, #tpu.tiled<(1,1),[1,1]>, #tpu.memory_space<vmem>>
    %dma_wait3A_175 = arith.constant 4096 : i32
    %dma_wait3A_176 = tpu.memref_slice %arg10[%dma_wait3A_175] : memref<16384xi32, #tpu.memory_space<vmem>> -> memref<2048xi32, #tpu.memory_space<vmem>>
    %dma_wait3A_177 = tpu.reinterpret_cast %arg5 : memref<32x1000000xf32, #tpu.memory_space<hbm>> -> memref<32000000x1xf32, #tpu.tiled<(1,1),[1,1]>, #tpu.memory_space<hbm>>
    %dma_wait3A_178 = arith.constant 0 : i32
    %dma_wait3A_179 = arith.constant 0 : i32
    %dma_wait3A_180 = tpu.memref_slice %dma_wait3A_177[%dma_wait3A_178, %dma_wait3A_179] : memref<32000000x1xf32, #tpu.tiled<(1,1),[1,1]>, #tpu.memory_space<hbm>> -> memref<32000000x1xf32, #tpu.tiled<(1,1),[1,1]>, #tpu.memory_space<hbm>>
    %dma_wait3A_181 = tpu.reinterpret_cast %dma_wait3A_180 : memref<32000000x1xf32, #tpu.tiled<(1,1),[1,1]>, #tpu.memory_space<hbm>> -> memref<32000000x1xf32, #tpu.tiled<(1,1),[1,1]>, #tpu.memory_space<hbm>>
    tpu.wait_indirect_dma semaphore(%arg23 : memref<!tpu.dma_semaphore, #tpu.memory_space<semaphore_mem>>) src(%dma_wait3A_181 : memref<32000000x1xf32, #tpu.tiled<(1,1),[1,1]>, #tpu.memory_space<hbm>>) dst(%dma_wait3A_174 : memref<2048x1xf32, #tpu.tiled<(1,1),[1,1]>, #tpu.memory_space<vmem>>)
    %scan3A_182 = arith.constant 0 : i32
    %scan3A_183 = arith.constant 0 : i32
    %scan3A_184 = arith.constant 32 : i32
    %scan3A_185 = arith.addi %scan3A_183, %scan3A_184 : i32
    %scan3A_186 = arith.constant 1 : i32
    scf.for %scan3A_370 = %scan3A_183 to %scan3A_185 step %scan3A_186  : i32 {
      %mul3A_371 = arith.constant 16 : i32
      %mul3A_372 = arith.muli %scan3A_370, %mul3A_371 : i32
      %get3A = arith.index_cast %mul3A_372 : i32 to index
      %get3A_373 = tpu.vector_load %arg7[%get3A] {strides = array<i32>} : memref<512xi32, #tpu.memory_space<vmem>>, vector<16xi32>,
      %mul3A_374 = arith.constant 16 : i32
      %mul3A_375 = arith.muli %scan3A_370, %mul3A_374 : i32
      %get3A_376 = arith.index_cast %mul3A_375 : i32 to index
      %get3A_377 = tpu.vector_load %arg8[%get3A_376] {strides = array<i32>} : memref<512xi32, #tpu.memory_space<vmem>>, vector<16xi32>,
      %mul3A_378 = arith.constant 16 : i32
      %mul3A_379 = arith.muli %scan3A_370, %mul3A_378 : i32
      %add3A_380 = arith.constant 10240 : i32
      %add3A_381 = arith.addi %add3A_380, %mul3A_379 : i32
      %add3A_382 = arith.constant 16001536 : i32
      %add3A_383 = vector.broadcast %add3A_382 : i32 to vector<16xi32>
      %add3A_384 = arith.addi %get3A_373, %add3A_383 : vector<16xi32>
      %swap3A = arith.index_cast %add3A_381 : i32 to index
      %swap3A_385 = tpu.vector_load %arg9[%swap3A] {strides = array<i32>} : memref<16384xi32, #tpu.memory_space<vmem>>, vector<16xi32>,
      tpu.vector_store %arg9[%swap3A], %add3A_384 {strides = array<i32>} : memref<16384xi32, #tpu.memory_space<vmem>>, vector<16xi32>,
      %add3A_386 = arith.constant 16001536 : i32
      %add3A_387 = vector.broadcast %add3A_386 : i32 to vector<16xi32>
      %add3A_388 = arith.addi %get3A_377, %add3A_387 : vector<16xi32>
      %swap3A_389 = arith.index_cast %add3A_381 : i32 to index
      %swap3A_390 = tpu.vector_load %arg10[%swap3A_389] {strides = array<i32>} : memref<16384xi32, #tpu.memory_space<vmem>>, vector<16xi32>,
      tpu.vector_store %arg10[%swap3A_389], %add3A_388 {strides = array<i32>} : memref<16384xi32, #tpu.memory_space<vmem>>, vector<16xi32>,
      %mul3A_391 = arith.constant 16 : i32
      %mul3A_392 = arith.muli %scan3A_370, %mul3A_391 : i32
      %add3A_393 = arith.constant 10752 : i32
      %add3A_394 = arith.addi %add3A_393, %mul3A_392 : i32
      %add3A_395 = arith.constant 16001664 : i32
      %add3A_396 = vector.broadcast %add3A_395 : i32 to vector<16xi32>
      %add3A_397 = arith.addi %get3A_373, %add3A_396 : vector<16xi32>
      %swap3A_398 = arith.index_cast %add3A_394 : i32 to index
      %swap3A_399 = tpu.vector_load %arg9[%swap3A_398] {strides = array<i32>} : memref<16384xi32, #tpu.memory_space<vmem>>, vector<16xi32>,
      tpu.vector_store %arg9[%swap3A_398], %add3A_397 {strides = array<i32>} : memref<16384xi32, #tpu.memory_space<vmem>>, vector<16xi32>,
      %add3A_400 = arith.constant 16001664 : i32
      %add3A_401 = vector.broadcast %add3A_400 : i32 to vector<16xi32>
      %add3A_402 = arith.addi %get3A_377, %add3A_401 : vector<16xi32>
      %swap3A_403 = arith.index_cast %add3A_394 : i32 to index
      %swap3A_404 = tpu.vector_load %arg10[%swap3A_403] {strides = array<i32>} : memref<16384xi32, #tpu.memory_space<vmem>>, vector<16xi32>,
      tpu.vector_store %arg10[%swap3A_403], %add3A_402 {strides = array<i32>} : memref<16384xi32, #tpu.memory_space<vmem>>, vector<16xi32>,
      %mul3A_405 = arith.constant 16 : i32
      %mul3A_406 = arith.muli %scan3A_370, %mul3A_405 : i32
      %add3A_407 = arith.constant 11264 : i32
      %add3A_408 = arith.addi %add3A_407, %mul3A_406 : i32
      %add3A_409 = arith.constant 16001792 : i32
      %add3A_410 = vector.broadcast %add3A_409 : i32 to vector<16xi32>
      %add3A_411 = arith.addi %get3A_373, %add3A_410 : vector<16xi32>
      %swap3A_412 = arith.index_cast %add3A_408 : i32 to index
      %swap3A_413 = tpu.vector_load %arg9[%swap3A_412] {strides = array<i32>} : memref<16384xi32, #tpu.memory_space<vmem>>, vector<16xi32>,
      tpu.vector_store %arg9[%swap3A_412], %add3A_411 {strides = array<i32>} : memref<16384xi32, #tpu.memory_space<vmem>>, vector<16xi32>,
      %add3A_414 = arith.constant 16001792 : i32
      %add3A_415 = vector.broadcast %add3A_414 : i32 to vector<16xi32>
      %add3A_416 = arith.addi %get3A_377, %add3A_415 : vector<16xi32>
      %swap3A_417 = arith.index_cast %add3A_408 : i32 to index
      %swap3A_418 = tpu.vector_load %arg10[%swap3A_417] {strides = array<i32>} : memref<16384xi32, #tpu.memory_space<vmem>>, vector<16xi32>,
      tpu.vector_store %arg10[%swap3A_417], %add3A_416 {strides = array<i32>} : memref<16384xi32, #tpu.memory_space<vmem>>, vector<16xi32>,
      %mul3A_419 = arith.constant 16 : i32
      %mul3A_420 = arith.muli %scan3A_370, %mul3A_419 : i32
      %add3A_421 = arith.constant 11776 : i32
      %add3A_422 = arith.addi %add3A_421, %mul3A_420 : i32
      %add3A_423 = arith.constant 16001920 : i32
      %add3A_424 = vector.broadcast %add3A_423 : i32 to vector<16xi32>
      %add3A_425 = arith.addi %get3A_373, %add3A_424 : vector<16xi32>
      %swap3A_426 = arith.index_cast %add3A_422 : i32 to index
      %swap3A_427 = tpu.vector_load %arg9[%swap3A_426] {strides = array<i32>} : memref<16384xi32, #tpu.memory_space<vmem>>, vector<16xi32>,
      tpu.vector_store %arg9[%swap3A_426], %add3A_425 {strides = array<i32>} : memref<16384xi32, #tpu.memory_space<vmem>>, vector<16xi32>,
      %add3A_428 = arith.constant 16001920 : i32
      %add3A_429 = vector.broadcast %add3A_428 : i32 to vector<16xi32>
      %add3A_430 = arith.addi %get3A_377, %add3A_429 : vector<16xi32>
      %swap3A_431 = arith.index_cast %add3A_422 : i32 to index
      %swap3A_432 = tpu.vector_load %arg10[%swap3A_431] {strides = array<i32>} : memref<16384xi32, #tpu.memory_space<vmem>>, vector<16xi32>,
      tpu.vector_store %arg10[%swap3A_431], %add3A_430 {strides = array<i32>} : memref<16384xi32, #tpu.memory_space<vmem>>, vector<16xi32>,
    }
    %scan3A_187 = arith.constant 32 : i32
    %scan3A_188 = arith.constant 0 : i32
    %scan3A_189 = arith.constant 0 : i32
    %scan3A_190 = arith.constant 128 : i32
    %scan3A_191 = arith.addi %scan3A_189, %scan3A_190 : i32
    %scan3A_192 = arith.constant 1 : i32
    scf.for %scan3A_370 = %scan3A_189 to %scan3A_191 step %scan3A_192  : i32 {
      %mul3A_371 = arith.constant 16 : i32
      %mul3A_372 = arith.muli %scan3A_370, %mul3A_371 : i32
      %shift_right_arithmetic3A = arith.constant 7 : i32
      %shift_right_arithmetic3A_373 = arith.shrsi %mul3A_372, %shift_right_arithmetic3A : i32
      %and3A = arith.constant 127 : i32
      %and3A_374 = arith.andi %mul3A_372, %and3A : i32
      %get3A = arith.index_cast %shift_right_arithmetic3A_373 : i32 to index
      %get3A_375 = arith.index_cast %and3A_374 : i32 to index
      %get3A_376 = tpu.vector_load %arg13[%get3A, %get3A_375] {strides = array<i32>} : memref<16x128xf32, #tpu.memory_space<vmem>>, vector<16xf32>,
      %get3A_377 = arith.index_cast %shift_right_arithmetic3A_373 : i32 to index
      %get3A_378 = arith.index_cast %and3A_374 : i32 to index
      %get3A_379 = tpu.vector_load %arg16[%get3A_377, %get3A_378] {strides = array<i32>} : memref<16x128xf32, #tpu.memory_space<vmem>>, vector<16xf32>,
      %and3A_380 = arith.constant 511 : i32
      %and3A_381 = arith.andi %mul3A_372, %and3A_380 : i32
      %get3A_382 = arith.index_cast %and3A_381 : i32 to index
      %get3A_383 = tpu.vector_load %arg17[%get3A_382] {strides = array<i32>} : memref<512xf32, #tpu.memory_space<vmem>>, vector<16xf32>,
      %mul3A_384 = arith.mulf %get3A_376, %get3A_379 : vector<16xf32>
      %add3A_385 = arith.addf %get3A_383, %mul3A_384 : vector<16xf32>
      %swap3A = arith.index_cast %and3A_381 : i32 to index
      %swap3A_386 = tpu.vector_load %arg17[%swap3A] {strides = array<i32>} : memref<512xf32, #tpu.memory_space<vmem>>, vector<16xf32>,
      tpu.vector_store %arg17[%swap3A], %add3A_385 {strides = array<i32>} : memref<512xf32, #tpu.memory_space<vmem>>, vector<16xf32>,
    }
    %scan3A_193 = arith.constant 128 : i32
    %dma_start3A_194 = tpu.reinterpret_cast %arg13 : memref<16x128xf32, #tpu.memory_space<vmem>> -> memref<2048x1xf32, #tpu.tiled<(1,1),[1,1]>, #tpu.memory_space<vmem>>
    %dma_start3A_195 = arith.constant 10240 : i32
    %dma_start3A_196 = tpu.memref_slice %arg9[%dma_start3A_195] : memref<16384xi32, #tpu.memory_space<vmem>> -> memref<2048xi32, #tpu.memory_space<vmem>>
    %dma_start3A_197 = tpu.reinterpret_cast %arg4 : memref<32x1000000xf32, #tpu.memory_space<hbm>> -> memref<32000000x1xf32, #tpu.tiled<(1,1),[1,1]>, #tpu.memory_space<hbm>>
    %dma_start3A_198 = arith.constant 0 : i32
    %dma_start3A_199 = arith.constant 0 : i32
    %dma_start3A_200 = tpu.memref_slice %dma_start3A_197[%dma_start3A_198, %dma_start3A_199] : memref<32000000x1xf32, #tpu.tiled<(1,1),[1,1]>, #tpu.memory_space<hbm>> -> memref<32000000x1xf32, #tpu.tiled<(1,1),[1,1]>, #tpu.memory_space<hbm>>
    %dma_start3A_201 = tpu.reinterpret_cast %dma_start3A_200 : memref<32000000x1xf32, #tpu.tiled<(1,1),[1,1]>, #tpu.memory_space<hbm>> -> memref<32000000x1xf32, #tpu.tiled<(1,1),[1,1]>, #tpu.memory_space<hbm>>
    tpu.enqueue_indirect_dma source(%dma_start3A_201 : memref<32000000x1xf32, #tpu.tiled<(1,1),[1,1]>, #tpu.memory_space<hbm>>) target(%dma_start3A_194 : memref<2048x1xf32, #tpu.tiled<(1,1),[1,1]>, #tpu.memory_space<vmem>>) offsets(%dma_start3A_196 : memref<2048xi32, #tpu.memory_space<vmem>>) semaphore(%arg20 : memref<!tpu.dma_semaphore, #tpu.memory_space<semaphore_mem>>)
    %dma_start3A_202 = tpu.reinterpret_cast %arg16 : memref<16x128xf32, #tpu.memory_space<vmem>> -> memref<2048x1xf32, #tpu.tiled<(1,1),[1,1]>, #tpu.memory_space<vmem>>
    %dma_start3A_203 = arith.constant 10240 : i32
    %dma_start3A_204 = tpu.memref_slice %arg10[%dma_start3A_203] : memref<16384xi32, #tpu.memory_space<vmem>> -> memref<2048xi32, #tpu.memory_space<vmem>>
    %dma_start3A_205 = tpu.reinterpret_cast %arg5 : memref<32x1000000xf32, #tpu.memory_space<hbm>> -> memref<32000000x1xf32, #tpu.tiled<(1,1),[1,1]>, #tpu.memory_space<hbm>>
    %dma_start3A_206 = arith.constant 0 : i32
    %dma_start3A_207 = arith.constant 0 : i32
    %dma_start3A_208 = tpu.memref_slice %dma_start3A_205[%dma_start3A_206, %dma_start3A_207] : memref<32000000x1xf32, #tpu.tiled<(1,1),[1,1]>, #tpu.memory_space<hbm>> -> memref<32000000x1xf32, #tpu.tiled<(1,1),[1,1]>, #tpu.memory_space<hbm>>
    %dma_start3A_209 = tpu.reinterpret_cast %dma_start3A_208 : memref<32000000x1xf32, #tpu.tiled<(1,1),[1,1]>, #tpu.memory_space<hbm>> -> memref<32000000x1xf32, #tpu.tiled<(1,1),[1,1]>, #tpu.memory_space<hbm>>
    tpu.enqueue_indirect_dma source(%dma_start3A_209 : memref<32000000x1xf32, #tpu.tiled<(1,1),[1,1]>, #tpu.memory_space<hbm>>) target(%dma_start3A_202 : memref<2048x1xf32, #tpu.tiled<(1,1),[1,1]>, #tpu.memory_space<vmem>>) offsets(%dma_start3A_204 : memref<2048xi32, #tpu.memory_space<vmem>>) semaphore(%arg23 : memref<!tpu.dma_semaphore, #tpu.memory_space<semaphore_mem>>)
    %dma_wait3A_210 = tpu.reinterpret_cast %arg11 : memref<16x128xf32, #tpu.memory_space<vmem>> -> memref<2048x1xf32, #tpu.tiled<(1,1),[1,1]>, #tpu.memory_space<vmem>>
    %dma_wait3A_211 = arith.constant 6144 : i32
    %dma_wait3A_212 = tpu.memref_slice %arg9[%dma_wait3A_211] : memref<16384xi32, #tpu.memory_space<vmem>> -> memref<2048xi32, #tpu.memory_space<vmem>>
    %dma_wait3A_213 = tpu.reinterpret_cast %arg4 : memref<32x1000000xf32, #tpu.memory_space<hbm>> -> memref<32000000x1xf32, #tpu.tiled<(1,1),[1,1]>, #tpu.memory_space<hbm>>
    %dma_wait3A_214 = arith.constant 0 : i32
    %dma_wait3A_215 = arith.constant 0 : i32
    %dma_wait3A_216 = tpu.memref_slice %dma_wait3A_213[%dma_wait3A_214, %dma_wait3A_215] : memref<32000000x1xf32, #tpu.tiled<(1,1),[1,1]>, #tpu.memory_space<hbm>> -> memref<32000000x1xf32, #tpu.tiled<(1,1),[1,1]>, #tpu.memory_space<hbm>>
    %dma_wait3A_217 = tpu.reinterpret_cast %dma_wait3A_216 : memref<32000000x1xf32, #tpu.tiled<(1,1),[1,1]>, #tpu.memory_space<hbm>> -> memref<32000000x1xf32, #tpu.tiled<(1,1),[1,1]>, #tpu.memory_space<hbm>>
    tpu.wait_indirect_dma semaphore(%arg18 : memref<!tpu.dma_semaphore, #tpu.memory_space<semaphore_mem>>) src(%dma_wait3A_217 : memref<32000000x1xf32, #tpu.tiled<(1,1),[1,1]>, #tpu.memory_space<hbm>>) dst(%dma_wait3A_210 : memref<2048x1xf32, #tpu.tiled<(1,1),[1,1]>, #tpu.memory_space<vmem>>)
    %dma_wait3A_218 = tpu.reinterpret_cast %arg14 : memref<16x128xf32, #tpu.memory_space<vmem>> -> memref<2048x1xf32, #tpu.tiled<(1,1),[1,1]>, #tpu.memory_space<vmem>>
    %dma_wait3A_219 = arith.constant 6144 : i32
    %dma_wait3A_220 = tpu.memref_slice %arg10[%dma_wait3A_219] : memref<16384xi32, #tpu.memory_space<vmem>> -> memref<2048xi32, #tpu.memory_space<vmem>>
    %dma_wait3A_221 = tpu.reinterpret_cast %arg5 : memref<32x1000000xf32, #tpu.memory_space<hbm>> -> memref<32000000x1xf32, #tpu.tiled<(1,1),[1,1]>, #tpu.memory_space<hbm>>
    %dma_wait3A_222 = arith.constant 0 : i32
    %dma_wait3A_223 = arith.constant 0 : i32
    %dma_wait3A_224 = tpu.memref_slice %dma_wait3A_221[%dma_wait3A_222, %dma_wait3A_223] : memref<32000000x1xf32, #tpu.tiled<(1,1),[1,1]>, #tpu.memory_space<hbm>> -> memref<32000000x1xf32, #tpu.tiled<(1,1),[1,1]>, #tpu.memory_space<hbm>>
    %dma_wait3A_225 = tpu.reinterpret_cast %dma_wait3A_224 : memref<32000000x1xf32, #tpu.tiled<(1,1),[1,1]>, #tpu.memory_space<hbm>> -> memref<32000000x1xf32, #tpu.tiled<(1,1),[1,1]>, #tpu.memory_space<hbm>>
    tpu.wait_indirect_dma semaphore(%arg21 : memref<!tpu.dma_semaphore, #tpu.memory_space<semaphore_mem>>) src(%dma_wait3A_225 : memref<32000000x1xf32, #tpu.tiled<(1,1),[1,1]>, #tpu.memory_space<hbm>>) dst(%dma_wait3A_218 : memref<2048x1xf32, #tpu.tiled<(1,1),[1,1]>, #tpu.memory_space<vmem>>)
    %scan3A_226 = arith.constant 0 : i32
    %scan3A_227 = arith.constant 0 : i32
    %scan3A_228 = arith.constant 32 : i32
    %scan3A_229 = arith.addi %scan3A_227, %scan3A_228 : i32
    %scan3A_230 = arith.constant 1 : i32
    scf.for %scan3A_370 = %scan3A_227 to %scan3A_229 step %scan3A_230  : i32 {
      %mul3A_371 = arith.constant 16 : i32
      %mul3A_372 = arith.muli %scan3A_370, %mul3A_371 : i32
      %get3A = arith.index_cast %mul3A_372 : i32 to index
      %get3A_373 = tpu.vector_load %arg7[%get3A] {strides = array<i32>} : memref<512xi32, #tpu.memory_space<vmem>>, vector<16xi32>,
      %mul3A_374 = arith.constant 16 : i32
      %mul3A_375 = arith.muli %scan3A_370, %mul3A_374 : i32
      %get3A_376 = arith.index_cast %mul3A_375 : i32 to index
      %get3A_377 = tpu.vector_load %arg8[%get3A_376] {strides = array<i32>} : memref<512xi32, #tpu.memory_space<vmem>>, vector<16xi32>,
      %mul3A_378 = arith.constant 16 : i32
      %mul3A_379 = arith.muli %scan3A_370, %mul3A_378 : i32
      %add3A_380 = arith.constant 12288 : i32
      %add3A_381 = arith.addi %add3A_380, %mul3A_379 : i32
      %add3A_382 = arith.constant 24001536 : i32
      %add3A_383 = vector.broadcast %add3A_382 : i32 to vector<16xi32>
      %add3A_384 = arith.addi %get3A_373, %add3A_383 : vector<16xi32>
      %swap3A = arith.index_cast %add3A_381 : i32 to index
      %swap3A_385 = tpu.vector_load %arg9[%swap3A] {strides = array<i32>} : memref<16384xi32, #tpu.memory_space<vmem>>, vector<16xi32>,
      tpu.vector_store %arg9[%swap3A], %add3A_384 {strides = array<i32>} : memref<16384xi32, #tpu.memory_space<vmem>>, vector<16xi32>,
      %add3A_386 = arith.constant 24001536 : i32
      %add3A_387 = vector.broadcast %add3A_386 : i32 to vector<16xi32>
      %add3A_388 = arith.addi %get3A_377, %add3A_387 : vector<16xi32>
      %swap3A_389 = arith.index_cast %add3A_381 : i32 to index
      %swap3A_390 = tpu.vector_load %arg10[%swap3A_389] {strides = array<i32>} : memref<16384xi32, #tpu.memory_space<vmem>>, vector<16xi32>,
      tpu.vector_store %arg10[%swap3A_389], %add3A_388 {strides = array<i32>} : memref<16384xi32, #tpu.memory_space<vmem>>, vector<16xi32>,
      %mul3A_391 = arith.constant 16 : i32
      %mul3A_392 = arith.muli %scan3A_370, %mul3A_391 : i32
      %add3A_393 = arith.constant 12800 : i32
      %add3A_394 = arith.addi %add3A_393, %mul3A_392 : i32
      %add3A_395 = arith.constant 24001664 : i32
      %add3A_396 = vector.broadcast %add3A_395 : i32 to vector<16xi32>
      %add3A_397 = arith.addi %get3A_373, %add3A_396 : vector<16xi32>
      %swap3A_398 = arith.index_cast %add3A_394 : i32 to index
      %swap3A_399 = tpu.vector_load %arg9[%swap3A_398] {strides = array<i32>} : memref<16384xi32, #tpu.memory_space<vmem>>, vector<16xi32>,
      tpu.vector_store %arg9[%swap3A_398], %add3A_397 {strides = array<i32>} : memref<16384xi32, #tpu.memory_space<vmem>>, vector<16xi32>,
      %add3A_400 = arith.constant 24001664 : i32
      %add3A_401 = vector.broadcast %add3A_400 : i32 to vector<16xi32>
      %add3A_402 = arith.addi %get3A_377, %add3A_401 : vector<16xi32>
      %swap3A_403 = arith.index_cast %add3A_394 : i32 to index
      %swap3A_404 = tpu.vector_load %arg10[%swap3A_403] {strides = array<i32>} : memref<16384xi32, #tpu.memory_space<vmem>>, vector<16xi32>,
      tpu.vector_store %arg10[%swap3A_403], %add3A_402 {strides = array<i32>} : memref<16384xi32, #tpu.memory_space<vmem>>, vector<16xi32>,
      %mul3A_405 = arith.constant 16 : i32
      %mul3A_406 = arith.muli %scan3A_370, %mul3A_405 : i32
      %add3A_407 = arith.constant 13312 : i32
      %add3A_408 = arith.addi %add3A_407, %mul3A_406 : i32
      %add3A_409 = arith.constant 24001792 : i32
      %add3A_410 = vector.broadcast %add3A_409 : i32 to vector<16xi32>
      %add3A_411 = arith.addi %get3A_373, %add3A_410 : vector<16xi32>
      %swap3A_412 = arith.index_cast %add3A_408 : i32 to index
      %swap3A_413 = tpu.vector_load %arg9[%swap3A_412] {strides = array<i32>} : memref<16384xi32, #tpu.memory_space<vmem>>, vector<16xi32>,
      tpu.vector_store %arg9[%swap3A_412], %add3A_411 {strides = array<i32>} : memref<16384xi32, #tpu.memory_space<vmem>>, vector<16xi32>,
      %add3A_414 = arith.constant 24001792 : i32
      %add3A_415 = vector.broadcast %add3A_414 : i32 to vector<16xi32>
      %add3A_416 = arith.addi %get3A_377, %add3A_415 : vector<16xi32>
      %swap3A_417 = arith.index_cast %add3A_408 : i32 to index
      %swap3A_418 = tpu.vector_load %arg10[%swap3A_417] {strides = array<i32>} : memref<16384xi32, #tpu.memory_space<vmem>>, vector<16xi32>,
      tpu.vector_store %arg10[%swap3A_417], %add3A_416 {strides = array<i32>} : memref<16384xi32, #tpu.memory_space<vmem>>, vector<16xi32>,
      %mul3A_419 = arith.constant 16 : i32
      %mul3A_420 = arith.muli %scan3A_370, %mul3A_419 : i32
      %add3A_421 = arith.constant 13824 : i32
      %add3A_422 = arith.addi %add3A_421, %mul3A_420 : i32
      %add3A_423 = arith.constant 24001920 : i32
      %add3A_424 = vector.broadcast %add3A_423 : i32 to vector<16xi32>
      %add3A_425 = arith.addi %get3A_373, %add3A_424 : vector<16xi32>
      %swap3A_426 = arith.index_cast %add3A_422 : i32 to index
      %swap3A_427 = tpu.vector_load %arg9[%swap3A_426] {strides = array<i32>} : memref<16384xi32, #tpu.memory_space<vmem>>, vector<16xi32>,
      tpu.vector_store %arg9[%swap3A_426], %add3A_425 {strides = array<i32>} : memref<16384xi32, #tpu.memory_space<vmem>>, vector<16xi32>,
      %add3A_428 = arith.constant 24001920 : i32
      %add3A_429 = vector.broadcast %add3A_428 : i32 to vector<16xi32>
      %add3A_430 = arith.addi %get3A_377, %add3A_429 : vector<16xi32>
      %swap3A_431 = arith.index_cast %add3A_422 : i32 to index
      %swap3A_432 = tpu.vector_load %arg10[%swap3A_431] {strides = array<i32>} : memref<16384xi32, #tpu.memory_space<vmem>>, vector<16xi32>,
      tpu.vector_store %arg10[%swap3A_431], %add3A_430 {strides = array<i32>} : memref<16384xi32, #tpu.memory_space<vmem>>, vector<16xi32>,
    }
    %scan3A_231 = arith.constant 32 : i32
    %scan3A_232 = arith.constant 0 : i32
    %scan3A_233 = arith.constant 0 : i32
    %scan3A_234 = arith.constant 128 : i32
    %scan3A_235 = arith.addi %scan3A_233, %scan3A_234 : i32
    %scan3A_236 = arith.constant 1 : i32
    scf.for %scan3A_370 = %scan3A_233 to %scan3A_235 step %scan3A_236  : i32 {
      %mul3A_371 = arith.constant 16 : i32
      %mul3A_372 = arith.muli %scan3A_370, %mul3A_371 : i32
      %shift_right_arithmetic3A = arith.constant 7 : i32
      %shift_right_arithmetic3A_373 = arith.shrsi %mul3A_372, %shift_right_arithmetic3A : i32
      %and3A = arith.constant 127 : i32
      %and3A_374 = arith.andi %mul3A_372, %and3A : i32
      %get3A = arith.index_cast %shift_right_arithmetic3A_373 : i32 to index
      %get3A_375 = arith.index_cast %and3A_374 : i32 to index
      %get3A_376 = tpu.vector_load %arg11[%get3A, %get3A_375] {strides = array<i32>} : memref<16x128xf32, #tpu.memory_space<vmem>>, vector<16xf32>,
      %get3A_377 = arith.index_cast %shift_right_arithmetic3A_373 : i32 to index
      %get3A_378 = arith.index_cast %and3A_374 : i32 to index
      %get3A_379 = tpu.vector_load %arg14[%get3A_377, %get3A_378] {strides = array<i32>} : memref<16x128xf32, #tpu.memory_space<vmem>>, vector<16xf32>,
      %and3A_380 = arith.constant 511 : i32
      %and3A_381 = arith.andi %mul3A_372, %and3A_380 : i32
      %get3A_382 = arith.index_cast %and3A_381 : i32 to index
      %get3A_383 = tpu.vector_load %arg17[%get3A_382] {strides = array<i32>} : memref<512xf32, #tpu.memory_space<vmem>>, vector<16xf32>,
      %mul3A_384 = arith.mulf %get3A_376, %get3A_379 : vector<16xf32>
      %add3A_385 = arith.addf %get3A_383, %mul3A_384 : vector<16xf32>
      %swap3A = arith.index_cast %and3A_381 : i32 to index
      %swap3A_386 = tpu.vector_load %arg17[%swap3A] {strides = array<i32>} : memref<512xf32, #tpu.memory_space<vmem>>, vector<16xf32>,
      tpu.vector_store %arg17[%swap3A], %add3A_385 {strides = array<i32>} : memref<512xf32, #tpu.memory_space<vmem>>, vector<16xf32>,
    }
    %scan3A_237 = arith.constant 128 : i32
    %dma_start3A_238 = tpu.reinterpret_cast %arg11 : memref<16x128xf32, #tpu.memory_space<vmem>> -> memref<2048x1xf32, #tpu.tiled<(1,1),[1,1]>, #tpu.memory_space<vmem>>
    %dma_start3A_239 = arith.constant 12288 : i32
    %dma_start3A_240 = tpu.memref_slice %arg9[%dma_start3A_239] : memref<16384xi32, #tpu.memory_space<vmem>> -> memref<2048xi32, #tpu.memory_space<vmem>>
    %dma_start3A_241 = tpu.reinterpret_cast %arg4 : memref<32x1000000xf32, #tpu.memory_space<hbm>> -> memref<32000000x1xf32, #tpu.tiled<(1,1),[1,1]>, #tpu.memory_space<hbm>>
    %dma_start3A_242 = arith.constant 0 : i32
    %dma_start3A_243 = arith.constant 0 : i32
    %dma_start3A_244 = tpu.memref_slice %dma_start3A_241[%dma_start3A_242, %dma_start3A_243] : memref<32000000x1xf32, #tpu.tiled<(1,1),[1,1]>, #tpu.memory_space<hbm>> -> memref<32000000x1xf32, #tpu.tiled<(1,1),[1,1]>, #tpu.memory_space<hbm>>
    %dma_start3A_245 = tpu.reinterpret_cast %dma_start3A_244 : memref<32000000x1xf32, #tpu.tiled<(1,1),[1,1]>, #tpu.memory_space<hbm>> -> memref<32000000x1xf32, #tpu.tiled<(1,1),[1,1]>, #tpu.memory_space<hbm>>
    tpu.enqueue_indirect_dma source(%dma_start3A_245 : memref<32000000x1xf32, #tpu.tiled<(1,1),[1,1]>, #tpu.memory_space<hbm>>) target(%dma_start3A_238 : memref<2048x1xf32, #tpu.tiled<(1,1),[1,1]>, #tpu.memory_space<vmem>>) offsets(%dma_start3A_240 : memref<2048xi32, #tpu.memory_space<vmem>>) semaphore(%arg18 : memref<!tpu.dma_semaphore, #tpu.memory_space<semaphore_mem>>)
    %dma_start3A_246 = tpu.reinterpret_cast %arg14 : memref<16x128xf32, #tpu.memory_space<vmem>> -> memref<2048x1xf32, #tpu.tiled<(1,1),[1,1]>, #tpu.memory_space<vmem>>
    %dma_start3A_247 = arith.constant 12288 : i32
    %dma_start3A_248 = tpu.memref_slice %arg10[%dma_start3A_247] : memref<16384xi32, #tpu.memory_space<vmem>> -> memref<2048xi32, #tpu.memory_space<vmem>>
    %dma_start3A_249 = tpu.reinterpret_cast %arg5 : memref<32x1000000xf32, #tpu.memory_space<hbm>> -> memref<32000000x1xf32, #tpu.tiled<(1,1),[1,1]>, #tpu.memory_space<hbm>>
    %dma_start3A_250 = arith.constant 0 : i32
    %dma_start3A_251 = arith.constant 0 : i32
    %dma_start3A_252 = tpu.memref_slice %dma_start3A_249[%dma_start3A_250, %dma_start3A_251] : memref<32000000x1xf32, #tpu.tiled<(1,1),[1,1]>, #tpu.memory_space<hbm>> -> memref<32000000x1xf32, #tpu.tiled<(1,1),[1,1]>, #tpu.memory_space<hbm>>
    %dma_start3A_253 = tpu.reinterpret_cast %dma_start3A_252 : memref<32000000x1xf32, #tpu.tiled<(1,1),[1,1]>, #tpu.memory_space<hbm>> -> memref<32000000x1xf32, #tpu.tiled<(1,1),[1,1]>, #tpu.memory_space<hbm>>
    tpu.enqueue_indirect_dma source(%dma_start3A_253 : memref<32000000x1xf32, #tpu.tiled<(1,1),[1,1]>, #tpu.memory_space<hbm>>) target(%dma_start3A_246 : memref<2048x1xf32, #tpu.tiled<(1,1),[1,1]>, #tpu.memory_space<vmem>>) offsets(%dma_start3A_248 : memref<2048xi32, #tpu.memory_space<vmem>>) semaphore(%arg21 : memref<!tpu.dma_semaphore, #tpu.memory_space<semaphore_mem>>)
    %dma_wait3A_254 = tpu.reinterpret_cast %arg12 : memref<16x128xf32, #tpu.memory_space<vmem>> -> memref<2048x1xf32, #tpu.tiled<(1,1),[1,1]>, #tpu.memory_space<vmem>>
    %dma_wait3A_255 = arith.constant 8192 : i32
    %dma_wait3A_256 = tpu.memref_slice %arg9[%dma_wait3A_255] : memref<16384xi32, #tpu.memory_space<vmem>> -> memref<2048xi32, #tpu.memory_space<vmem>>
    %dma_wait3A_257 = tpu.reinterpret_cast %arg4 : memref<32x1000000xf32, #tpu.memory_space<hbm>> -> memref<32000000x1xf32, #tpu.tiled<(1,1),[1,1]>, #tpu.memory_space<hbm>>
    %dma_wait3A_258 = arith.constant 0 : i32
    %dma_wait3A_259 = arith.constant 0 : i32
    %dma_wait3A_260 = tpu.memref_slice %dma_wait3A_257[%dma_wait3A_258, %dma_wait3A_259] : memref<32000000x1xf32, #tpu.tiled<(1,1),[1,1]>, #tpu.memory_space<hbm>> -> memref<32000000x1xf32, #tpu.tiled<(1,1),[1,1]>, #tpu.memory_space<hbm>>
    %dma_wait3A_261 = tpu.reinterpret_cast %dma_wait3A_260 : memref<32000000x1xf32, #tpu.tiled<(1,1),[1,1]>, #tpu.memory_space<hbm>> -> memref<32000000x1xf32, #tpu.tiled<(1,1),[1,1]>, #tpu.memory_space<hbm>>
    tpu.wait_indirect_dma semaphore(%arg19 : memref<!tpu.dma_semaphore, #tpu.memory_space<semaphore_mem>>) src(%dma_wait3A_261 : memref<32000000x1xf32, #tpu.tiled<(1,1),[1,1]>, #tpu.memory_space<hbm>>) dst(%dma_wait3A_254 : memref<2048x1xf32, #tpu.tiled<(1,1),[1,1]>, #tpu.memory_space<vmem>>)
    %dma_wait3A_262 = tpu.reinterpret_cast %arg15 : memref<16x128xf32, #tpu.memory_space<vmem>> -> memref<2048x1xf32, #tpu.tiled<(1,1),[1,1]>, #tpu.memory_space<vmem>>
    %dma_wait3A_263 = arith.constant 8192 : i32
    %dma_wait3A_264 = tpu.memref_slice %arg10[%dma_wait3A_263] : memref<16384xi32, #tpu.memory_space<vmem>> -> memref<2048xi32, #tpu.memory_space<vmem>>
    %dma_wait3A_265 = tpu.reinterpret_cast %arg5 : memref<32x1000000xf32, #tpu.memory_space<hbm>> -> memref<32000000x1xf32, #tpu.tiled<(1,1),[1,1]>, #tpu.memory_space<hbm>>
    %dma_wait3A_266 = arith.constant 0 : i32
    %dma_wait3A_267 = arith.constant 0 : i32
    %dma_wait3A_268 = tpu.memref_slice %dma_wait3A_265[%dma_wait3A_266, %dma_wait3A_267] : memref<32000000x1xf32, #tpu.tiled<(1,1),[1,1]>, #tpu.memory_space<hbm>> -> memref<32000000x1xf32, #tpu.tiled<(1,1),[1,1]>, #tpu.memory_space<hbm>>
    %dma_wait3A_269 = tpu.reinterpret_cast %dma_wait3A_268 : memref<32000000x1xf32, #tpu.tiled<(1,1),[1,1]>, #tpu.memory_space<hbm>> -> memref<32000000x1xf32, #tpu.tiled<(1,1),[1,1]>, #tpu.memory_space<hbm>>
    tpu.wait_indirect_dma semaphore(%arg22 : memref<!tpu.dma_semaphore, #tpu.memory_space<semaphore_mem>>) src(%dma_wait3A_269 : memref<32000000x1xf32, #tpu.tiled<(1,1),[1,1]>, #tpu.memory_space<hbm>>) dst(%dma_wait3A_262 : memref<2048x1xf32, #tpu.tiled<(1,1),[1,1]>, #tpu.memory_space<vmem>>)
    %scan3A_270 = arith.constant 0 : i32
    %scan3A_271 = arith.constant 0 : i32
    %scan3A_272 = arith.constant 32 : i32
    %scan3A_273 = arith.addi %scan3A_271, %scan3A_272 : i32
    %scan3A_274 = arith.constant 1 : i32
    scf.for %scan3A_370 = %scan3A_271 to %scan3A_273 step %scan3A_274  : i32 {
      %mul3A_371 = arith.constant 16 : i32
      %mul3A_372 = arith.muli %scan3A_370, %mul3A_371 : i32
      %get3A = arith.index_cast %mul3A_372 : i32 to index
      %get3A_373 = tpu.vector_load %arg7[%get3A] {strides = array<i32>} : memref<512xi32, #tpu.memory_space<vmem>>, vector<16xi32>,
      %mul3A_374 = arith.constant 16 : i32
      %mul3A_375 = arith.muli %scan3A_370, %mul3A_374 : i32
      %get3A_376 = arith.index_cast %mul3A_375 : i32 to index
      %get3A_377 = tpu.vector_load %arg8[%get3A_376] {strides = array<i32>} : memref<512xi32, #tpu.memory_space<vmem>>, vector<16xi32>,
      %mul3A_378 = arith.constant 16 : i32
      %mul3A_379 = arith.muli %scan3A_370, %mul3A_378 : i32
      %add3A_380 = arith.constant 14336 : i32
      %add3A_381 = arith.addi %add3A_380, %mul3A_379 : i32
      %add3A_382 = arith.constant 24002048 : i32
      %add3A_383 = vector.broadcast %add3A_382 : i32 to vector<16xi32>
      %add3A_384 = arith.addi %get3A_373, %add3A_383 : vector<16xi32>
      %swap3A = arith.index_cast %add3A_381 : i32 to index
      %swap3A_385 = tpu.vector_load %arg9[%swap3A] {strides = array<i32>} : memref<16384xi32, #tpu.memory_space<vmem>>, vector<16xi32>,
      tpu.vector_store %arg9[%swap3A], %add3A_384 {strides = array<i32>} : memref<16384xi32, #tpu.memory_space<vmem>>, vector<16xi32>,
      %add3A_386 = arith.constant 24002048 : i32
      %add3A_387 = vector.broadcast %add3A_386 : i32 to vector<16xi32>
      %add3A_388 = arith.addi %get3A_377, %add3A_387 : vector<16xi32>
      %swap3A_389 = arith.index_cast %add3A_381 : i32 to index
      %swap3A_390 = tpu.vector_load %arg10[%swap3A_389] {strides = array<i32>} : memref<16384xi32, #tpu.memory_space<vmem>>, vector<16xi32>,
      tpu.vector_store %arg10[%swap3A_389], %add3A_388 {strides = array<i32>} : memref<16384xi32, #tpu.memory_space<vmem>>, vector<16xi32>,
      %mul3A_391 = arith.constant 16 : i32
      %mul3A_392 = arith.muli %scan3A_370, %mul3A_391 : i32
      %add3A_393 = arith.constant 14848 : i32
      %add3A_394 = arith.addi %add3A_393, %mul3A_392 : i32
      %add3A_395 = arith.constant 24002176 : i32
      %add3A_396 = vector.broadcast %add3A_395 : i32 to vector<16xi32>
      %add3A_397 = arith.addi %get3A_373, %add3A_396 : vector<16xi32>
      %swap3A_398 = arith.index_cast %add3A_394 : i32 to index
      %swap3A_399 = tpu.vector_load %arg9[%swap3A_398] {strides = array<i32>} : memref<16384xi32, #tpu.memory_space<vmem>>, vector<16xi32>,
      tpu.vector_store %arg9[%swap3A_398], %add3A_397 {strides = array<i32>} : memref<16384xi32, #tpu.memory_space<vmem>>, vector<16xi32>,
      %add3A_400 = arith.constant 24002176 : i32
      %add3A_401 = vector.broadcast %add3A_400 : i32 to vector<16xi32>
      %add3A_402 = arith.addi %get3A_377, %add3A_401 : vector<16xi32>
      %swap3A_403 = arith.index_cast %add3A_394 : i32 to index
      %swap3A_404 = tpu.vector_load %arg10[%swap3A_403] {strides = array<i32>} : memref<16384xi32, #tpu.memory_space<vmem>>, vector<16xi32>,
      tpu.vector_store %arg10[%swap3A_403], %add3A_402 {strides = array<i32>} : memref<16384xi32, #tpu.memory_space<vmem>>, vector<16xi32>,
      %mul3A_405 = arith.constant 16 : i32
      %mul3A_406 = arith.muli %scan3A_370, %mul3A_405 : i32
      %add3A_407 = arith.constant 15360 : i32
      %add3A_408 = arith.addi %add3A_407, %mul3A_406 : i32
      %add3A_409 = arith.constant 24002304 : i32
      %add3A_410 = vector.broadcast %add3A_409 : i32 to vector<16xi32>
      %add3A_411 = arith.addi %get3A_373, %add3A_410 : vector<16xi32>
      %swap3A_412 = arith.index_cast %add3A_408 : i32 to index
      %swap3A_413 = tpu.vector_load %arg9[%swap3A_412] {strides = array<i32>} : memref<16384xi32, #tpu.memory_space<vmem>>, vector<16xi32>,
      tpu.vector_store %arg9[%swap3A_412], %add3A_411 {strides = array<i32>} : memref<16384xi32, #tpu.memory_space<vmem>>, vector<16xi32>,
      %add3A_414 = arith.constant 24002304 : i32
      %add3A_415 = vector.broadcast %add3A_414 : i32 to vector<16xi32>
      %add3A_416 = arith.addi %get3A_377, %add3A_415 : vector<16xi32>
      %swap3A_417 = arith.index_cast %add3A_408 : i32 to index
      %swap3A_418 = tpu.vector_load %arg10[%swap3A_417] {strides = array<i32>} : memref<16384xi32, #tpu.memory_space<vmem>>, vector<16xi32>,
      tpu.vector_store %arg10[%swap3A_417], %add3A_416 {strides = array<i32>} : memref<16384xi32, #tpu.memory_space<vmem>>, vector<16xi32>,
      %mul3A_419 = arith.constant 16 : i32
      %mul3A_420 = arith.muli %scan3A_370, %mul3A_419 : i32
      %add3A_421 = arith.constant 15872 : i32
      %add3A_422 = arith.addi %add3A_421, %mul3A_420 : i32
      %add3A_423 = arith.constant 24002432 : i32
      %add3A_424 = vector.broadcast %add3A_423 : i32 to vector<16xi32>
      %add3A_425 = arith.addi %get3A_373, %add3A_424 : vector<16xi32>
      %swap3A_426 = arith.index_cast %add3A_422 : i32 to index
      %swap3A_427 = tpu.vector_load %arg9[%swap3A_426] {strides = array<i32>} : memref<16384xi32, #tpu.memory_space<vmem>>, vector<16xi32>,
      tpu.vector_store %arg9[%swap3A_426], %add3A_425 {strides = array<i32>} : memref<16384xi32, #tpu.memory_space<vmem>>, vector<16xi32>,
      %add3A_428 = arith.constant 24002432 : i32
      %add3A_429 = vector.broadcast %add3A_428 : i32 to vector<16xi32>
      %add3A_430 = arith.addi %get3A_377, %add3A_429 : vector<16xi32>
      %swap3A_431 = arith.index_cast %add3A_422 : i32 to index
      %swap3A_432 = tpu.vector_load %arg10[%swap3A_431] {strides = array<i32>} : memref<16384xi32, #tpu.memory_space<vmem>>, vector<16xi32>,
      tpu.vector_store %arg10[%swap3A_431], %add3A_430 {strides = array<i32>} : memref<16384xi32, #tpu.memory_space<vmem>>, vector<16xi32>,
    }
    %scan3A_275 = arith.constant 32 : i32
    %scan3A_276 = arith.constant 0 : i32
    %scan3A_277 = arith.constant 0 : i32
    %scan3A_278 = arith.constant 128 : i32
    %scan3A_279 = arith.addi %scan3A_277, %scan3A_278 : i32
    %scan3A_280 = arith.constant 1 : i32
    scf.for %scan3A_370 = %scan3A_277 to %scan3A_279 step %scan3A_280  : i32 {
      %mul3A_371 = arith.constant 16 : i32
      %mul3A_372 = arith.muli %scan3A_370, %mul3A_371 : i32
      %shift_right_arithmetic3A = arith.constant 7 : i32
      %shift_right_arithmetic3A_373 = arith.shrsi %mul3A_372, %shift_right_arithmetic3A : i32
      %and3A = arith.constant 127 : i32
      %and3A_374 = arith.andi %mul3A_372, %and3A : i32
      %get3A = arith.index_cast %shift_right_arithmetic3A_373 : i32 to index
      %get3A_375 = arith.index_cast %and3A_374 : i32 to index
      %get3A_376 = tpu.vector_load %arg12[%get3A, %get3A_375] {strides = array<i32>} : memref<16x128xf32, #tpu.memory_space<vmem>>, vector<16xf32>,
      %get3A_377 = arith.index_cast %shift_right_arithmetic3A_373 : i32 to index
      %get3A_378 = arith.index_cast %and3A_374 : i32 to index
      %get3A_379 = tpu.vector_load %arg15[%get3A_377, %get3A_378] {strides = array<i32>} : memref<16x128xf32, #tpu.memory_space<vmem>>, vector<16xf32>,
      %and3A_380 = arith.constant 511 : i32
      %and3A_381 = arith.andi %mul3A_372, %and3A_380 : i32
      %get3A_382 = arith.index_cast %and3A_381 : i32 to index
      %get3A_383 = tpu.vector_load %arg17[%get3A_382] {strides = array<i32>} : memref<512xf32, #tpu.memory_space<vmem>>, vector<16xf32>,
      %mul3A_384 = arith.mulf %get3A_376, %get3A_379 : vector<16xf32>
      %add3A_385 = arith.addf %get3A_383, %mul3A_384 : vector<16xf32>
      %swap3A = arith.index_cast %and3A_381 : i32 to index
      %swap3A_386 = tpu.vector_load %arg17[%swap3A] {strides = array<i32>} : memref<512xf32, #tpu.memory_space<vmem>>, vector<16xf32>,
      tpu.vector_store %arg17[%swap3A], %add3A_385 {strides = array<i32>} : memref<512xf32, #tpu.memory_space<vmem>>, vector<16xf32>,
    }
    %scan3A_281 = arith.constant 128 : i32
    %dma_start3A_282 = tpu.reinterpret_cast %arg12 : memref<16x128xf32, #tpu.memory_space<vmem>> -> memref<2048x1xf32, #tpu.tiled<(1,1),[1,1]>, #tpu.memory_space<vmem>>
    %dma_start3A_283 = arith.constant 14336 : i32
    %dma_start3A_284 = tpu.memref_slice %arg9[%dma_start3A_283] : memref<16384xi32, #tpu.memory_space<vmem>> -> memref<2048xi32, #tpu.memory_space<vmem>>
    %dma_start3A_285 = tpu.reinterpret_cast %arg4 : memref<32x1000000xf32, #tpu.memory_space<hbm>> -> memref<32000000x1xf32, #tpu.tiled<(1,1),[1,1]>, #tpu.memory_space<hbm>>
    %dma_start3A_286 = arith.constant 0 : i32
    %dma_start3A_287 = arith.constant 0 : i32
    %dma_start3A_288 = tpu.memref_slice %dma_start3A_285[%dma_start3A_286, %dma_start3A_287] : memref<32000000x1xf32, #tpu.tiled<(1,1),[1,1]>, #tpu.memory_space<hbm>> -> memref<32000000x1xf32, #tpu.tiled<(1,1),[1,1]>, #tpu.memory_space<hbm>>
    %dma_start3A_289 = tpu.reinterpret_cast %dma_start3A_288 : memref<32000000x1xf32, #tpu.tiled<(1,1),[1,1]>, #tpu.memory_space<hbm>> -> memref<32000000x1xf32, #tpu.tiled<(1,1),[1,1]>, #tpu.memory_space<hbm>>
    tpu.enqueue_indirect_dma source(%dma_start3A_289 : memref<32000000x1xf32, #tpu.tiled<(1,1),[1,1]>, #tpu.memory_space<hbm>>) target(%dma_start3A_282 : memref<2048x1xf32, #tpu.tiled<(1,1),[1,1]>, #tpu.memory_space<vmem>>) offsets(%dma_start3A_284 : memref<2048xi32, #tpu.memory_space<vmem>>) semaphore(%arg19 : memref<!tpu.dma_semaphore, #tpu.memory_space<semaphore_mem>>)
    %dma_start3A_290 = tpu.reinterpret_cast %arg15 : memref<16x128xf32, #tpu.memory_space<vmem>> -> memref<2048x1xf32, #tpu.tiled<(1,1),[1,1]>, #tpu.memory_space<vmem>>
    %dma_start3A_291 = arith.constant 14336 : i32
    %dma_start3A_292 = tpu.memref_slice %arg10[%dma_start3A_291] : memref<16384xi32, #tpu.memory_space<vmem>> -> memref<2048xi32, #tpu.memory_space<vmem>>
    %dma_start3A_293 = tpu.reinterpret_cast %arg5 : memref<32x1000000xf32, #tpu.memory_space<hbm>> -> memref<32000000x1xf32, #tpu.tiled<(1,1),[1,1]>, #tpu.memory_space<hbm>>
    %dma_start3A_294 = arith.constant 0 : i32
    %dma_start3A_295 = arith.constant 0 : i32
    %dma_start3A_296 = tpu.memref_slice %dma_start3A_293[%dma_start3A_294, %dma_start3A_295] : memref<32000000x1xf32, #tpu.tiled<(1,1),[1,1]>, #tpu.memory_space<hbm>> -> memref<32000000x1xf32, #tpu.tiled<(1,1),[1,1]>, #tpu.memory_space<hbm>>
    %dma_start3A_297 = tpu.reinterpret_cast %dma_start3A_296 : memref<32000000x1xf32, #tpu.tiled<(1,1),[1,1]>, #tpu.memory_space<hbm>> -> memref<32000000x1xf32, #tpu.tiled<(1,1),[1,1]>, #tpu.memory_space<hbm>>
    tpu.enqueue_indirect_dma source(%dma_start3A_297 : memref<32000000x1xf32, #tpu.tiled<(1,1),[1,1]>, #tpu.memory_space<hbm>>) target(%dma_start3A_290 : memref<2048x1xf32, #tpu.tiled<(1,1),[1,1]>, #tpu.memory_space<vmem>>) offsets(%dma_start3A_292 : memref<2048xi32, #tpu.memory_space<vmem>>) semaphore(%arg22 : memref<!tpu.dma_semaphore, #tpu.memory_space<semaphore_mem>>)
    %dma_wait3A_298 = tpu.reinterpret_cast %arg13 : memref<16x128xf32, #tpu.memory_space<vmem>> -> memref<2048x1xf32, #tpu.tiled<(1,1),[1,1]>, #tpu.memory_space<vmem>>
    %dma_wait3A_299 = arith.constant 10240 : i32
    %dma_wait3A_300 = tpu.memref_slice %arg9[%dma_wait3A_299] : memref<16384xi32, #tpu.memory_space<vmem>> -> memref<2048xi32, #tpu.memory_space<vmem>>
    %dma_wait3A_301 = tpu.reinterpret_cast %arg4 : memref<32x1000000xf32, #tpu.memory_space<hbm>> -> memref<32000000x1xf32, #tpu.tiled<(1,1),[1,1]>, #tpu.memory_space<hbm>>
    %dma_wait3A_302 = arith.constant 0 : i32
    %dma_wait3A_303 = arith.constant 0 : i32
    %dma_wait3A_304 = tpu.memref_slice %dma_wait3A_301[%dma_wait3A_302, %dma_wait3A_303] : memref<32000000x1xf32, #tpu.tiled<(1,1),[1,1]>, #tpu.memory_space<hbm>> -> memref<32000000x1xf32, #tpu.tiled<(1,1),[1,1]>, #tpu.memory_space<hbm>>
    %dma_wait3A_305 = tpu.reinterpret_cast %dma_wait3A_304 : memref<32000000x1xf32, #tpu.tiled<(1,1),[1,1]>, #tpu.memory_space<hbm>> -> memref<32000000x1xf32, #tpu.tiled<(1,1),[1,1]>, #tpu.memory_space<hbm>>
    tpu.wait_indirect_dma semaphore(%arg20 : memref<!tpu.dma_semaphore, #tpu.memory_space<semaphore_mem>>) src(%dma_wait3A_305 : memref<32000000x1xf32, #tpu.tiled<(1,1),[1,1]>, #tpu.memory_space<hbm>>) dst(%dma_wait3A_298 : memref<2048x1xf32, #tpu.tiled<(1,1),[1,1]>, #tpu.memory_space<vmem>>)
    %dma_wait3A_306 = tpu.reinterpret_cast %arg16 : memref<16x128xf32, #tpu.memory_space<vmem>> -> memref<2048x1xf32, #tpu.tiled<(1,1),[1,1]>, #tpu.memory_space<vmem>>
    %dma_wait3A_307 = arith.constant 10240 : i32
    %dma_wait3A_308 = tpu.memref_slice %arg10[%dma_wait3A_307] : memref<16384xi32, #tpu.memory_space<vmem>> -> memref<2048xi32, #tpu.memory_space<vmem>>
    %dma_wait3A_309 = tpu.reinterpret_cast %arg5 : memref<32x1000000xf32, #tpu.memory_space<hbm>> -> memref<32000000x1xf32, #tpu.tiled<(1,1),[1,1]>, #tpu.memory_space<hbm>>
    %dma_wait3A_310 = arith.constant 0 : i32
    %dma_wait3A_311 = arith.constant 0 : i32
    %dma_wait3A_312 = tpu.memref_slice %dma_wait3A_309[%dma_wait3A_310, %dma_wait3A_311] : memref<32000000x1xf32, #tpu.tiled<(1,1),[1,1]>, #tpu.memory_space<hbm>> -> memref<32000000x1xf32, #tpu.tiled<(1,1),[1,1]>, #tpu.memory_space<hbm>>
    %dma_wait3A_313 = tpu.reinterpret_cast %dma_wait3A_312 : memref<32000000x1xf32, #tpu.tiled<(1,1),[1,1]>, #tpu.memory_space<hbm>> -> memref<32000000x1xf32, #tpu.tiled<(1,1),[1,1]>, #tpu.memory_space<hbm>>
    tpu.wait_indirect_dma semaphore(%arg23 : memref<!tpu.dma_semaphore, #tpu.memory_space<semaphore_mem>>) src(%dma_wait3A_313 : memref<32000000x1xf32, #tpu.tiled<(1,1),[1,1]>, #tpu.memory_space<hbm>>) dst(%dma_wait3A_306 : memref<2048x1xf32, #tpu.tiled<(1,1),[1,1]>, #tpu.memory_space<vmem>>)
    %scan3A_314 = arith.constant 0 : i32
    %scan3A_315 = arith.constant 0 : i32
    %scan3A_316 = arith.constant 128 : i32
    %scan3A_317 = arith.addi %scan3A_315, %scan3A_316 : i32
    %scan3A_318 = arith.constant 1 : i32
    scf.for %scan3A_370 = %scan3A_315 to %scan3A_317 step %scan3A_318  : i32 {
      %mul3A_371 = arith.constant 16 : i32
      %mul3A_372 = arith.muli %scan3A_370, %mul3A_371 : i32
      %shift_right_arithmetic3A = arith.constant 7 : i32
      %shift_right_arithmetic3A_373 = arith.shrsi %mul3A_372, %shift_right_arithmetic3A : i32
      %and3A = arith.constant 127 : i32
      %and3A_374 = arith.andi %mul3A_372, %and3A : i32
      %get3A = arith.index_cast %shift_right_arithmetic3A_373 : i32 to index
      %get3A_375 = arith.index_cast %and3A_374 : i32 to index
      %get3A_376 = tpu.vector_load %arg13[%get3A, %get3A_375] {strides = array<i32>} : memref<16x128xf32, #tpu.memory_space<vmem>>, vector<16xf32>,
      %get3A_377 = arith.index_cast %shift_right_arithmetic3A_373 : i32 to index
      %get3A_378 = arith.index_cast %and3A_374 : i32 to index
      %get3A_379 = tpu.vector_load %arg16[%get3A_377, %get3A_378] {strides = array<i32>} : memref<16x128xf32, #tpu.memory_space<vmem>>, vector<16xf32>,
      %and3A_380 = arith.constant 511 : i32
      %and3A_381 = arith.andi %mul3A_372, %and3A_380 : i32
      %get3A_382 = arith.index_cast %and3A_381 : i32 to index
      %get3A_383 = tpu.vector_load %arg17[%get3A_382] {strides = array<i32>} : memref<512xf32, #tpu.memory_space<vmem>>, vector<16xf32>,
      %mul3A_384 = arith.mulf %get3A_376, %get3A_379 : vector<16xf32>
      %add3A_385 = arith.addf %get3A_383, %mul3A_384 : vector<16xf32>
      %swap3A = arith.index_cast %and3A_381 : i32 to index
      %swap3A_386 = tpu.vector_load %arg17[%swap3A] {strides = array<i32>} : memref<512xf32, #tpu.memory_space<vmem>>, vector<16xf32>,
      tpu.vector_store %arg17[%swap3A], %add3A_385 {strides = array<i32>} : memref<512xf32, #tpu.memory_space<vmem>>, vector<16xf32>,
    }
    %scan3A_319 = arith.constant 128 : i32
    %dma_wait3A_320 = tpu.reinterpret_cast %arg11 : memref<16x128xf32, #tpu.memory_space<vmem>> -> memref<2048x1xf32, #tpu.tiled<(1,1),[1,1]>, #tpu.memory_space<vmem>>
    %dma_wait3A_321 = arith.constant 12288 : i32
    %dma_wait3A_322 = tpu.memref_slice %arg9[%dma_wait3A_321] : memref<16384xi32, #tpu.memory_space<vmem>> -> memref<2048xi32, #tpu.memory_space<vmem>>
    %dma_wait3A_323 = tpu.reinterpret_cast %arg4 : memref<32x1000000xf32, #tpu.memory_space<hbm>> -> memref<32000000x1xf32, #tpu.tiled<(1,1),[1,1]>, #tpu.memory_space<hbm>>
    %dma_wait3A_324 = arith.constant 0 : i32
    %dma_wait3A_325 = arith.constant 0 : i32
    %dma_wait3A_326 = tpu.memref_slice %dma_wait3A_323[%dma_wait3A_324, %dma_wait3A_325] : memref<32000000x1xf32, #tpu.tiled<(1,1),[1,1]>, #tpu.memory_space<hbm>> -> memref<32000000x1xf32, #tpu.tiled<(1,1),[1,1]>, #tpu.memory_space<hbm>>
    %dma_wait3A_327 = tpu.reinterpret_cast %dma_wait3A_326 : memref<32000000x1xf32, #tpu.tiled<(1,1),[1,1]>, #tpu.memory_space<hbm>> -> memref<32000000x1xf32, #tpu.tiled<(1,1),[1,1]>, #tpu.memory_space<hbm>>
    tpu.wait_indirect_dma semaphore(%arg18 : memref<!tpu.dma_semaphore, #tpu.memory_space<semaphore_mem>>) src(%dma_wait3A_327 : memref<32000000x1xf32, #tpu.tiled<(1,1),[1,1]>, #tpu.memory_space<hbm>>) dst(%dma_wait3A_320 : memref<2048x1xf32, #tpu.tiled<(1,1),[1,1]>, #tpu.memory_space<vmem>>)
    %dma_wait3A_328 = tpu.reinterpret_cast %arg14 : memref<16x128xf32, #tpu.memory_space<vmem>> -> memref<2048x1xf32, #tpu.tiled<(1,1),[1,1]>, #tpu.memory_space<vmem>>
    %dma_wait3A_329 = arith.constant 12288 : i32
    %dma_wait3A_330 = tpu.memref_slice %arg10[%dma_wait3A_329] : memref<16384xi32, #tpu.memory_space<vmem>> -> memref<2048xi32, #tpu.memory_space<vmem>>
    %dma_wait3A_331 = tpu.reinterpret_cast %arg5 : memref<32x1000000xf32, #tpu.memory_space<hbm>> -> memref<32000000x1xf32, #tpu.tiled<(1,1),[1,1]>, #tpu.memory_space<hbm>>
    %dma_wait3A_332 = arith.constant 0 : i32
    %dma_wait3A_333 = arith.constant 0 : i32
    %dma_wait3A_334 = tpu.memref_slice %dma_wait3A_331[%dma_wait3A_332, %dma_wait3A_333] : memref<32000000x1xf32, #tpu.tiled<(1,1),[1,1]>, #tpu.memory_space<hbm>> -> memref<32000000x1xf32, #tpu.tiled<(1,1),[1,1]>, #tpu.memory_space<hbm>>
    %dma_wait3A_335 = tpu.reinterpret_cast %dma_wait3A_334 : memref<32000000x1xf32, #tpu.tiled<(1,1),[1,1]>, #tpu.memory_space<hbm>> -> memref<32000000x1xf32, #tpu.tiled<(1,1),[1,1]>, #tpu.memory_space<hbm>>
    tpu.wait_indirect_dma semaphore(%arg21 : memref<!tpu.dma_semaphore, #tpu.memory_space<semaphore_mem>>) src(%dma_wait3A_335 : memref<32000000x1xf32, #tpu.tiled<(1,1),[1,1]>, #tpu.memory_space<hbm>>) dst(%dma_wait3A_328 : memref<2048x1xf32, #tpu.tiled<(1,1),[1,1]>, #tpu.memory_space<vmem>>)
    %scan3A_336 = arith.constant 0 : i32
    %scan3A_337 = arith.constant 0 : i32
    %scan3A_338 = arith.constant 128 : i32
    %scan3A_339 = arith.addi %scan3A_337, %scan3A_338 : i32
    %scan3A_340 = arith.constant 1 : i32
    scf.for %scan3A_370 = %scan3A_337 to %scan3A_339 step %scan3A_340  : i32 {
      %mul3A_371 = arith.constant 16 : i32
      %mul3A_372 = arith.muli %scan3A_370, %mul3A_371 : i32
      %shift_right_arithmetic3A = arith.constant 7 : i32
      %shift_right_arithmetic3A_373 = arith.shrsi %mul3A_372, %shift_right_arithmetic3A : i32
      %and3A = arith.constant 127 : i32
      %and3A_374 = arith.andi %mul3A_372, %and3A : i32
      %get3A = arith.index_cast %shift_right_arithmetic3A_373 : i32 to index
      %get3A_375 = arith.index_cast %and3A_374 : i32 to index
      %get3A_376 = tpu.vector_load %arg11[%get3A, %get3A_375] {strides = array<i32>} : memref<16x128xf32, #tpu.memory_space<vmem>>, vector<16xf32>,
      %get3A_377 = arith.index_cast %shift_right_arithmetic3A_373 : i32 to index
      %get3A_378 = arith.index_cast %and3A_374 : i32 to index
      %get3A_379 = tpu.vector_load %arg14[%get3A_377, %get3A_378] {strides = array<i32>} : memref<16x128xf32, #tpu.memory_space<vmem>>, vector<16xf32>,
      %and3A_380 = arith.constant 511 : i32
      %and3A_381 = arith.andi %mul3A_372, %and3A_380 : i32
      %get3A_382 = arith.index_cast %and3A_381 : i32 to index
      %get3A_383 = tpu.vector_load %arg17[%get3A_382] {strides = array<i32>} : memref<512xf32, #tpu.memory_space<vmem>>, vector<16xf32>,
      %mul3A_384 = arith.mulf %get3A_376, %get3A_379 : vector<16xf32>
      %add3A_385 = arith.addf %get3A_383, %mul3A_384 : vector<16xf32>
      %swap3A = arith.index_cast %and3A_381 : i32 to index
      %swap3A_386 = tpu.vector_load %arg17[%swap3A] {strides = array<i32>} : memref<512xf32, #tpu.memory_space<vmem>>, vector<16xf32>,
      tpu.vector_store %arg17[%swap3A], %add3A_385 {strides = array<i32>} : memref<512xf32, #tpu.memory_space<vmem>>, vector<16xf32>,
    }
    %scan3A_341 = arith.constant 128 : i32
    %dma_wait3A_342 = tpu.reinterpret_cast %arg12 : memref<16x128xf32, #tpu.memory_space<vmem>> -> memref<2048x1xf32, #tpu.tiled<(1,1),[1,1]>, #tpu.memory_space<vmem>>
    %dma_wait3A_343 = arith.constant 14336 : i32
    %dma_wait3A_344 = tpu.memref_slice %arg9[%dma_wait3A_343] : memref<16384xi32, #tpu.memory_space<vmem>> -> memref<2048xi32, #tpu.memory_space<vmem>>
    %dma_wait3A_345 = tpu.reinterpret_cast %arg4 : memref<32x1000000xf32, #tpu.memory_space<hbm>> -> memref<32000000x1xf32, #tpu.tiled<(1,1),[1,1]>, #tpu.memory_space<hbm>>
    %dma_wait3A_346 = arith.constant 0 : i32
    %dma_wait3A_347 = arith.constant 0 : i32
    %dma_wait3A_348 = tpu.memref_slice %dma_wait3A_345[%dma_wait3A_346, %dma_wait3A_347] : memref<32000000x1xf32, #tpu.tiled<(1,1),[1,1]>, #tpu.memory_space<hbm>> -> memref<32000000x1xf32, #tpu.tiled<(1,1),[1,1]>, #tpu.memory_space<hbm>>
    %dma_wait3A_349 = tpu.reinterpret_cast %dma_wait3A_348 : memref<32000000x1xf32, #tpu.tiled<(1,1),[1,1]>, #tpu.memory_space<hbm>> -> memref<32000000x1xf32, #tpu.tiled<(1,1),[1,1]>, #tpu.memory_space<hbm>>
    tpu.wait_indirect_dma semaphore(%arg19 : memref<!tpu.dma_semaphore, #tpu.memory_space<semaphore_mem>>) src(%dma_wait3A_349 : memref<32000000x1xf32, #tpu.tiled<(1,1),[1,1]>, #tpu.memory_space<hbm>>) dst(%dma_wait3A_342 : memref<2048x1xf32, #tpu.tiled<(1,1),[1,1]>, #tpu.memory_space<vmem>>)
    %dma_wait3A_350 = tpu.reinterpret_cast %arg15 : memref<16x128xf32, #tpu.memory_space<vmem>> -> memref<2048x1xf32, #tpu.tiled<(1,1),[1,1]>, #tpu.memory_space<vmem>>
    %dma_wait3A_351 = arith.constant 14336 : i32
    %dma_wait3A_352 = tpu.memref_slice %arg10[%dma_wait3A_351] : memref<16384xi32, #tpu.memory_space<vmem>> -> memref<2048xi32, #tpu.memory_space<vmem>>
    %dma_wait3A_353 = tpu.reinterpret_cast %arg5 : memref<32x1000000xf32, #tpu.memory_space<hbm>> -> memref<32000000x1xf32, #tpu.tiled<(1,1),[1,1]>, #tpu.memory_space<hbm>>
    %dma_wait3A_354 = arith.constant 0 : i32
    %dma_wait3A_355 = arith.constant 0 : i32
    %dma_wait3A_356 = tpu.memref_slice %dma_wait3A_353[%dma_wait3A_354, %dma_wait3A_355] : memref<32000000x1xf32, #tpu.tiled<(1,1),[1,1]>, #tpu.memory_space<hbm>> -> memref<32000000x1xf32, #tpu.tiled<(1,1),[1,1]>, #tpu.memory_space<hbm>>
    %dma_wait3A_357 = tpu.reinterpret_cast %dma_wait3A_356 : memref<32000000x1xf32, #tpu.tiled<(1,1),[1,1]>, #tpu.memory_space<hbm>> -> memref<32000000x1xf32, #tpu.tiled<(1,1),[1,1]>, #tpu.memory_space<hbm>>
    tpu.wait_indirect_dma semaphore(%arg22 : memref<!tpu.dma_semaphore, #tpu.memory_space<semaphore_mem>>) src(%dma_wait3A_357 : memref<32000000x1xf32, #tpu.tiled<(1,1),[1,1]>, #tpu.memory_space<hbm>>) dst(%dma_wait3A_350 : memref<2048x1xf32, #tpu.tiled<(1,1),[1,1]>, #tpu.memory_space<vmem>>)
    %scan3A_358 = arith.constant 0 : i32
    %scan3A_359 = arith.constant 0 : i32
    %scan3A_360 = arith.constant 128 : i32
    %scan3A_361 = arith.addi %scan3A_359, %scan3A_360 : i32
    %scan3A_362 = arith.constant 1 : i32
    scf.for %scan3A_370 = %scan3A_359 to %scan3A_361 step %scan3A_362  : i32 {
      %mul3A_371 = arith.constant 16 : i32
      %mul3A_372 = arith.muli %scan3A_370, %mul3A_371 : i32
      %shift_right_arithmetic3A = arith.constant 7 : i32
      %shift_right_arithmetic3A_373 = arith.shrsi %mul3A_372, %shift_right_arithmetic3A : i32
      %and3A = arith.constant 127 : i32
      %and3A_374 = arith.andi %mul3A_372, %and3A : i32
      %get3A = arith.index_cast %shift_right_arithmetic3A_373 : i32 to index
      %get3A_375 = arith.index_cast %and3A_374 : i32 to index
      %get3A_376 = tpu.vector_load %arg12[%get3A, %get3A_375] {strides = array<i32>} : memref<16x128xf32, #tpu.memory_space<vmem>>, vector<16xf32>,
      %get3A_377 = arith.index_cast %shift_right_arithmetic3A_373 : i32 to index
      %get3A_378 = arith.index_cast %and3A_374 : i32 to index
      %get3A_379 = tpu.vector_load %arg15[%get3A_377, %get3A_378] {strides = array<i32>} : memref<16x128xf32, #tpu.memory_space<vmem>>, vector<16xf32>,
      %and3A_380 = arith.constant 511 : i32
      %and3A_381 = arith.andi %mul3A_372, %and3A_380 : i32
      %get3A_382 = arith.index_cast %and3A_381 : i32 to index
      %get3A_383 = tpu.vector_load %arg17[%get3A_382] {strides = array<i32>} : memref<512xf32, #tpu.memory_space<vmem>>, vector<16xf32>,
      %mul3A_384 = arith.mulf %get3A_376, %get3A_379 : vector<16xf32>
      %add3A_385 = arith.addf %get3A_383, %mul3A_384 : vector<16xf32>
      %swap3A = arith.index_cast %and3A_381 : i32 to index
      %swap3A_386 = tpu.vector_load %arg17[%swap3A] {strides = array<i32>} : memref<512xf32, #tpu.memory_space<vmem>>, vector<16xf32>,
      tpu.vector_store %arg17[%swap3A], %add3A_385 {strides = array<i32>} : memref<512xf32, #tpu.memory_space<vmem>>, vector<16xf32>,
    }
    %scan3A_363 = arith.constant 128 : i32
    %scan3A_364 = arith.constant 0 : i32
    %scan3A_365 = arith.constant 0 : i32
    %scan3A_366 = arith.constant 32 : i32
    %scan3A_367 = arith.addi %scan3A_365, %scan3A_366 : i32
    %scan3A_368 = arith.constant 1 : i32
    scf.for %scan3A_370 = %scan3A_365 to %scan3A_367 step %scan3A_368  : i32 {
      %mul3A_371 = arith.constant 16 : i32
      %mul3A_372 = arith.muli %scan3A_370, %mul3A_371 : i32
      %get3A = arith.index_cast %mul3A_372 : i32 to index
      %get3A_373 = tpu.vector_load %arg17[%get3A] {strides = array<i32>} : memref<512xf32, #tpu.memory_space<vmem>>, vector<16xf32>,
      %neg3A = arith.constant 0.000000e+00 : f32
      %neg3A_374 = vector.broadcast %neg3A : f32 to vector<16xf32>
      %neg3A_375 = arith.subf %neg3A_374, %get3A_373 : vector<16xf32>
      %exp3A = math.exp %neg3A_375 : vector<16xf32>
      %add3A_376 = arith.constant 1.000000e+00 : f32
      %add3A_377 = vector.broadcast %add3A_376 : f32 to vector<16xf32>
      %add3A_378 = arith.addf %add3A_377, %exp3A : vector<16xf32>
      %div3A = arith.constant 1.000000e+00 : f32
      %div3A_379 = vector.broadcast %div3A : f32 to vector<16xf32>
      %div3A_380 = arith.divf %div3A_379, %add3A_378 : vector<16xf32>
      %mul3A_381 = arith.constant 16 : i32
      %mul3A_382 = arith.muli %scan3A_370, %mul3A_381 : i32
      %swap3A = arith.index_cast %mul3A_382 : i32 to index
      %swap3A_383 = tpu.vector_load %arg17[%swap3A] {strides = array<i32>} : memref<512xf32, #tpu.memory_space<vmem>>, vector<16xf32>,
      tpu.vector_store %arg17[%swap3A], %div3A_380 {strides = array<i32>} : memref<512xf32, #tpu.memory_space<vmem>>, vector<16xf32>,
    }
    %scan3A_369 = arith.constant 32 : i32
    "tpu.region"() ({
      %run_scoped3A = tpu.sem_alloc : memref<!tpu.dma_semaphore, #tpu.memory_space<semaphore_mem>>
      %dma_start3A_370 = tpu.memref_slice %arg6[%mul3A_2] : memref<16384xf32, #tpu.memory_space<hbm>> -> memref<512xf32, #tpu.memory_space<hbm>>
      %dma_start3A_371 = tpu.memref_slice %arg6[%mul3A_2] : memref<16384xf32, #tpu.memory_space<hbm>> -> memref<512xf32, #tpu.memory_space<hbm>>
      tpu.enqueue_dma source(%arg17 : memref<512xf32, #tpu.memory_space<vmem>>) target(%dma_start3A_371 : memref<512xf32, #tpu.memory_space<hbm>>) target_semaphore(%run_scoped3A : memref<!tpu.dma_semaphore, #tpu.memory_space<semaphore_mem>>)
      %dma_wait3A_372 = tpu.memref_slice %arg6[%mul3A_2] : memref<16384xf32, #tpu.memory_space<hbm>> -> memref<512xf32, #tpu.memory_space<hbm>>
      %dma_wait3A_373 = tpu.memref_slice %arg6[%mul3A_2] : memref<16384xf32, #tpu.memory_space<hbm>> -> memref<512xf32, #tpu.memory_space<hbm>>
      tpu.wait_dma2 semaphore(%run_scoped3A : memref<!tpu.dma_semaphore, #tpu.memory_space<semaphore_mem>>) src(%arg17 : memref<512xf32, #tpu.memory_space<vmem>>) dst(%dma_wait3A_373 : memref<512xf32, #tpu.memory_space<hbm>>)
      tpu.yield
    }) : () -> ()
    return
  }
}

</mosaic_0001>

<sc_bundles>
// kernel: kernel.3.cloned.1.call-start
scs
__scs_entry_jumppad:
0x0: {  	(pc) =	sbr.rel $0x88, $3  }
0x1: {  	(tag) =	ssettag $0x0;
	lr =	simm.s32 $0x1  }
0x2: {  	[smem:$0x3F9D] =	sst lr;
	_ =	strace $0xD0000000  }
0x3: {  	_ = 	snop  }
0x4: {  	_ = 	snop  }
0x5: {  	_ = 	snop  }
0x6: {  	_ = 	snop  }
0x7: {  	_ = 	snop  }
__scs_overlays_trampoline_lowered:
0x8: {  	[smem:$0x3FAC] =	sst s0  }
0x9: {  	[smem:$0x3FAD] =	sst s1  }
0xa: {  	[smem:$0x3FAE] =	sst s2  }
0xb: {  	[smem:$0x3FAF] =	sst s3  }
0xc: {  	[smem:$0x3FB0] =	sst s4  }
0xd: {  	[smem:$0x3FB1] =	sst s5  }
0xe: {  	[smem:$0x3FB2] =	sst s6  }
0xf: {  	[smem:$0x3FB3] =	sst s7  }
0x10: {  	[smem:$0x3FB4] =	sst s8  }
0x11: {  	[smem:$0x3FB5] =	sst s9;
	s0 =	simm.s32 @!p0 $0x0  }
0x12: {  	s1 =	sld [smem:$0x3F9B];
	s0 =	simm.s32 @p0 $0x1  }
0x13: {  	[smem:$0x3FB6] =	sst s0;
	s0 =	simm.s32 @!p1 $0x0  }
0x14: {  	s2 =	sld [smem:$0x3F9A];
	s0 =	simm.s32 @p1 $0x1  }
0x15: {  	[smem:$0x3FB7] =	sst s0;
	s0 =	simm.s32 @!p2 $0x0  }
0x16: {  	s3 =	sld [smem:$0x3FDB];
	s0 =	simm.s32 @p2 $0x1  }
0x17: {  	s4 =	simm.s32 $0x1BF5;
	[smem:$0x3FB9] =	sst s0  }
0x18: {  	s0 =	sld [smem:$0x3F9C];
	_ =	swait.ge [sflag:s4], $0x0  }
0x19: {  	s7 =	sld [smem:$0x3F9D]  }
0x1a: {  	s8 =	sadd.s32 $0xFFFFE003, lr  }
0x1b: {  	s9 =	sadd.s32 $0xFFFFFEF7, lr;
	s5 =	simm.s32 $0xFFFFFFFF;
	p2 =	slt.u32 s8, $0xFFFFF086  }
0x1c: {  	p1 =	slt.u32 s9, $0xF7A;
	s5 =	simm.s32 @!p2 $0x0  }
0x1d: {  	s5 =	simm.s32 @p1 $0x1;
	p0 =	seq.s32 s7, s2  }
0x1e: {  	s7 =	smul.u32 @!p0 $0xF7A, s2;
	p2 =	seq.s32 @!p0 s5, $0x0  }
0x1f: {  	s9 =	smul.u32 $0xF7A, s1;
	s8 =	simm.s32 @!p0 $0x1BF5;
	p2 =	por !p2, p0  }
0x20: {  	[sflag:s8] =	ssyncset.s32 @!p0 $0xFFFFF086;
	s6 =	sadd.s32 @!p0 s3, s7;
	s7 =	simm.s32 @!p0 $0x108  }
0x21: {  	s3 =	sadd.s32 s3, s9;
	s6 =	sadd.s32 @!p0 $0x88, s6;
	s7 =	simm.s32 @p2 $0x1082  }
0x22: {  	[simem:s7], [sflag:s8] =	dma.local @!p0 [hbm:s6], $0xF7A  }
0x23: {  	s9 =	sor.u32 $0xD0000000, s2;
	s6 =	simm.s32 $0x108;
	_ =	swait.ge @!p0 [sflag:s8], $0x0  }
0x24: {  	s3 =	sadd.s32 $0x88, s3;
	s6 =	simm.s32 @!p1 $0x1082;
	[sflag:s4] =	ssyncset.s32 $0xFFFFF086  }
0x25: {  	[simem:s6], [sflag:s4] =	dma.local [hbm:s3], $0xF7A  }
0x26: {  	[smem:$0x3F9D] =	sst s1;
	(tag) =	ssettag s2;
	_ =	strace s9  }
0x27: {  	s1 =	sld [smem:$0x3FAD]  }
0x28: {  	s2 =	sld [smem:$0x3FAE]  }
0x29: {  	s4 =	sld [smem:$0x3FB0]  }
0x2a: {  	p0 =	seq.s32 s5, $0x0;
	s5 =	sld [smem:$0x3FB1]  }
0x2b: {  	s6 =	sld [smem:$0x3FB2]  }
0x2c: {  	s7 =	sld [smem:$0x3FB3]  }
0x2d: {  	s3 =	simm.s32 $0x108;
	s8 =	sld [smem:$0x3FB4]  }
0x2e: {  	s3 =	simm.s32 @!p0 $0x1082;
	s9 =	sld [smem:$0x3FB5]  }
0x2f: {  	lr =	sadd.s32 s0, s3;
	s0 =	sld [smem:$0x3FAC]  }
0x30: {  	s3 =	sld [smem:$0x3FAF]  }
0x31: {  	[smem:$0x3FB8] =	sst s10  }
0x32: {  	s10 =	sld [smem:$0x3FB6];
	_ =	sdelay $0x3  }
0x33: {  	p0 =	seq.s32 s10, $0x1;
	s10 =	sld [smem:$0x3FB8];
	_ =	sdelay $0x3  }
0x34: {  	[smem:$0x3FB8] =	sst s10  }
0x35: {  	s10 =	sld [smem:$0x3FB7];
	_ =	sdelay $0x3  }
0x36: {  	p1 =	seq.s32 s10, $0x1;
	s10 =	sld [smem:$0x3FB8];
	_ =	sdelay $0x3  }
0x37: {  	[smem:$0x3FB8] =	sst s10  }
0x38: {  	s10 =	sld [smem:$0x3FB9]  }
0x39: {  	_ = 	snop;
	(pc) =	sbr.ind lr, $3  }
0x3a: {  	_ = 	snop  }
0x3b: {  	_ = 	snop  }
0x3c: {  	p2 =	seq.s32 s10, $0x1;
	s10 =	sld [smem:$0x3FB8]  }
0x3d: {  	_ =	shalt  }
0x3e: {  	_ =	shalt  }
0x3f: {  	_ =	shalt  }
0x40: {  	_ =	shalt  }
0x41: {  	_ =	shalt  }
0x42: {  	_ =	shalt  }
0x43: {  	_ =	shalt  }
0x44: {  	_ =	shalt  }
0x45: {  	_ =	shalt  }
0x46: {  	_ =	shalt  }
0x47: {  	_ =	shalt  }
0x48: {  	_ =	shalt  }
0x49: {  	_ =	shalt  }
0x4a: {  	_ =	shalt  }
0x4b: {  	_ =	shalt  }
0x4c: {  	_ =	shalt  }
0x4d: {  	_ =	shalt  }
0x4e: {  	_ =	shalt  }
0x4f: {  	_ =	shalt  }
0x50: {  	_ =	shalt  }
0x51: {  	_ =	shalt  }
0x52: {  	_ =	shalt  }
0x53: {  	_ =	shalt  }
0x54: {  	_ =	shalt  }
0x55: {  	_ =	shalt  }
0x56: {  	_ =	shalt  }
0x57: {  	_ =	shalt  }
0x58: {  	_ =	shalt  }
0x59: {  	_ =	shalt  }
0x5a: {  	_ =	shalt  }
0x5b: {  	_ =	shalt  }
0x5c: {  	_ =	shalt  }
0x5d: {  	_ =	shalt  }
0x5e: {  	_ =	shalt  }
0x5f: {  	_ =	shalt  }
0x60: {  	_ =	shalt  }
0x61: {  	_ =	shalt  }
0x62: {  	_ =	shalt  }
0x63: {  	_ =	shalt  }
0x64: {  	_ =	shalt  }
0x65: {  	_ =	shalt  }
0x66: {  	_ =	shalt  }
0x67: {  	_ =	shalt  }
0x68: {  	_ =	shalt  }
0x69: {  	_ =	shalt  }
0x6a: {  	_ =	shalt  }
0x6b: {  	_ =	shalt  }
0x6c: {  	_ =	shalt  }
0x6d: {  	_ =	shalt  }
0x6e: {  	_ =	shalt  }
0x6f: {  	_ =	shalt  }
0x70: {  	_ =	shalt  }
0x71: {  	_ =	shalt  }
0x72: {  	_ =	shalt  }
0x73: {  	_ =	shalt  }
0x74: {  	_ =	shalt  }
0x75: {  	_ =	shalt  }
0x76: {  	_ =	shalt  }
0x77: {  	_ =	shalt  }
0x78: {  	_ =	shalt  }
0x79: {  	_ =	shalt  }
0x7a: {  	_ =	shalt  }
0x7b: {  	_ =	shalt  }
0x7c: {  	_ =	shalt  }
0x7d: {  	_ =	shalt  }
0x7e: {  	_ =	shalt  }
0x7f: {  	_ =	shalt  }
0x80: {  	_ =	shalt  }
0x81: {  	_ =	shalt  }
0x82: {  	_ =	shalt  }
0x83: {  	_ =	shalt  }
0x84: {  	_ =	shalt  }
0x85: {  	_ =	shalt  }
0x86: {  	_ =	shalt  }
0x87: {  	_ =	shalt  }
.Lfunc_end0:
.L_simem_size_0:
called_computation_lowered:
.L_overlay_start_0:
0x88: {  	s2 =	sld [smem:$0x3FD9]  }
0x89: {  	s3 =	sld [smem:$0x3FFE];
	_ =	sdelay $0x1  }
0x8a: {  	s1 =	srdreg.scid  }
0x8b: {  	s0 =	sand.u32 $0x1, s1  }
0x8c: {  	s18 =	sshll.u32 s0, $0xA;
	s2 =	sadd.s32 s3, s2  }
0x8d: {  	s2 =	sadd.s32 s2, s18  }
0x8e: {  	[smem:$0x3FC4] =	sst s2  }
0x8f: {  	_ = 	snop  }
0x90: {  	s2 =	sld [smem:$0x3FC9]  }
0x91: {  	s19 =	sld [smem:$0x3FC8]  }
0x92: {  	s4 =	sld [smem:$0x3FC7]  }
0x93: {  	s5 =	sld [smem:$0x3FC6]  }
0x94: {  	s6 =	sld [smem:$0x3FD0];
	(tm) =	ssettm $0x1  }
0x95: {  	s7 =	sld [smem:$0x3FFB];
	_ =	sdelay $0x3  }
0x96: {  	_ =	strace s7  }
0x97: {  	s7 =	sld [smem:$0x3FFC];
	_ =	sdelay $0x3  }
0x98: {  	_ =	strace s7  }
0x99: {  	s7 =	sld [smem:$0x3FFD];
	_ =	sdelay $0x3  }
0x9a: {  	_ =	strace s7  }
0x9b: {  	_ =	strace $0x8FFFFFFF  }
0x9c: {  	s20 =	sld [smem:$0x3FDB];
	_ =	sdelay $0x1  }
0x9d: {  	s8 =	simm.s32 $_scs_section_size  }
0x9e: {  	s9 =	simm.s32 $_size__tile_overlayer_lowered;
	s10 =	simm.s32 $_tile_overlayer_lowered  }
0x9f: {  	s23 =	simm.s32 $0x1BFF;
	s22 =	sshll.u32 s10, $0x1;
	s7 =	sadd.s32 s8, s20  }
0xa0: {  	s11 =	simm.s32 $0x0;
	s21 =	sshll.u32 s9, $0x1;
	s9 =	sadd.s32 s22, s7  }
0xa1: {  	[timem:s11], [sflag:s23] =	dma.local [hbm:s9], s21  }
0xa2: {  	_ =	swait.ge [sflag:s23], s21  }
0xa3: {  	s8 =	ssub.s32 $0x0, s21;
	[sflag:s23] =	ssyncset.done $0x0  }
0xa4: {  	[sflag:s23] =	ssyncadd.s32 s8;
	_ =	sdelay $0x1  }
0xa5: {  	s24 =	simm.s32 $0x1B8B  }
0xa6: {  	_ =	swait.ge [sflag:s24], $0x1  }
0xa7: {  	[sflag:s24] =	ssyncset.done $0x0  }
0xa8: {  	s25 =	simm.s32 $0x1B8E;
	[sflag:s24] =	ssyncadd.s32 $0xFFFFFFFF  }
0xa9: {  	s26 =	simm.s32 $execute0_lowered;
	[smem:$0x3FD2] =	sst s25  }
0xaa: {  	s8 =	sshll.u32 s26, $0x1;
	_ =	strace $0x80000046;
	[dreg:$0x1] =	wrdreg $0xFFFFFFFF  }
0xab: {  	s28 =	simm.s32 $_size_execute0_lowered;
	s7 =	sadd.s32 s7, s8;
	[dreg:$0x0] =	wrdreg $0x0  }
0xac: {  	s8 =	sshll.u32 s28, $0x1;
	[dreg:$0x2] =	wrdreg s7  }
0xad: {  	[dreg:$0x3] =	wrdreg s8  }
0xae: {  	[dreg:$0x4] =	wrdreg $0xC0  }
0xaf: {  	_ =	task [dreg:s11], $0x5FFFF  }
0xb0: {  	[dreg:$0x1] =	wrdreg $0xFFFFFFFF  }
0xb1: {  	[dreg:$0x0] =	wrdreg $0x60  }
0xb2: {  	[dreg:$0x2] =	wrdreg s2  }
0xb3: {  	[dreg:$0x3] =	wrdreg s19  }
0xb4: {  	[dreg:$0x4] =	wrdreg s4  }
0xb5: {  	[dreg:$0x5] =	wrdreg s5  }
0xb6: {  	[dreg:$0x6] =	wrdreg s6  }
0xb7: {  	[dreg:$0x7] =	wrdreg $0x9  }
0xb8: {  	_ =	task.clear_ibuf [dreg:s11], $0x8FFFF;
	_ =	strace $0x90000046  }
0xb9: {  	s29 =	simm.s32 $0x9;
	_ =	strace $0x80000048  }
0xba: {  	_ =	swait.ge [sflag:s29], $0x1  }
0xbb: {  	[sflag:s29] =	ssyncadd.s32 $0xFFFFFFFF  }
0xbc: {  	_ =	strace $0x90000048  }
0xbd: {  	_ =	sfence  }
0xbe: {  	s30 =	sld [smem:$0x0];
	_ =	sdelay $0x2  }
0xbf: {  	s31 =	sshll.u32 s1, $0xD;
	s1 =	sshrl.u32 s1, $0x2  }
0xc0: {  	s3 =	sand.u32 $0x4000, s31;
	s1 =	sadd.s32 s1, s30  }
0xc1: {  	s0 =	sor.u32 s3, s0;
	s1 =	sshll.u32 s1, $0x11  }
0xc2: {  	s0 =	sor.u32 s1, s0  }
0xc3: {  	s0 =	sadd.s32 $0x8F2B, s0  }
0xc4: {  	[sflag:s0] =	ssyncadd.remote.s32 $0x1  }
0xc5: {  	_ =	sfence.sel $0xFFFF  }
0xc6: {  	[dreg:$0x0] =	wrdreg $0xFFFFFFFF;
	(pc) =	sbr.abs _section_cstart, $3  }
0xc7: {  	[dreg:$0x1] =	wrdreg $0xFFFFFFFF  }
0xc8: {  	_ =	task.clear_ibuf [dreg:s11], $0x2FFFF;
	_ =	strace $0x9FFFFFFF  }
0xc9: {  	(tm) =	ssettm $0x7FFFFFFF  }
tec
execute0_lowered:
.L_overlay_start_1:
0x0: {  	(tag) =	ssettag $0x1  }
0x1: {  	s0 =	rddreg [dreg:$0x0]  }
0x2: {  	s3 =	rddreg [dreg:$0x1]  }
0x3: {  	s1 =	rddreg [dreg:$0x2]  }
0x4: {  	s2 =	rddreg [dreg:$0x3]  }
0x5: {  	s7 =	rddreg [dreg:$0x4];
	s5 =	srdreg.scid;
	s4 =	simm.s32 $0x0  }
0x6: {  	s8 =	stileid.u32;
	s11 =	simm.s32 $0x800;
	s13 =	simm.s32 $0x8400  }
0x7: {  	s15 =	simm.s32 $0x9C00;
	s17 =	simm.s32 $0x8C00;
	s19 =	simm.s32 $0xA400  }
0x8: {  	s21 =	simm.s32 $0x9400;
	s23 =	simm.s32 $0xAC00;
	s24 =	simm.s32 $0x1  }
0x9: {  	s25 =	simm.s32 $0x4;
	s29 =	simm.s32 $0x2;
	s30 =	simm.s32 $0x5  }
0xa: {  	s10 =	simm.s32 $0x6;
	s18 =	simm.s32 $0x7400;
	s20 =	simm.s32 $0x3C00  }
0xb: {  	s22 =	simm.s32 $0x7C00;
	s26 =	simm.s32 $0xB400;
	s5 =	sand.u32 $0x1, s5  }
0xc: {  	s28 =	simm.s32 $0x0;
	s8 =	sshll.u32 s8, $0x7;
	s6 =	ssub.s32 $0x2, s5  }
0xd: {  	[smem:$0x7FF] =	sst s4;
	s5 =	sshll.u32 s5, $0x6;
	s9 =	sshrl.u32 s6, $0x1  }
0xe: {  	_ =	strace $0x80000047;
	s8 =	sor.u32 s5, s8;
	s9 =	ssub.s32 s6, s9  }
0xf: {  	s5 =	sadd.s32 s0, s8;
	s6 =	sadd.s32 s3, s8;
	s7 =	sadd.s32 s7, s8  }
0x10: {  	v0 =	vimm.f32 $0.0e+00;
	s3 =	simm.s32 $0x3;
	s8 =	smax.u32 s9, $0x1;
	s9 =	simm.s32 $0x7  }
.LBB2_1:
0x11: {  	[tilespmem:s4], [sflag:$0x7] =	stream.linear.gather [hbm4b:s5+s4], $0x200, $0x38;
	[tilespmem:$0xB600] =	vst v63  }
0x12: {  	_ =	swait.ge [sflag:s9], $0x200  }
0x13: {  	[sflag:s9] =	ssyncset.done $0x0  }
0x14: {  	s0 =	simm.s32 $0x200;
	[sflag:s9] =	ssyncadd.s32 $0xFFFFFE00  }
0x15: {  	[tilespmem:s0], [sflag:$0x7] =	stream.linear.gather [hbm4b:s6+s4], $0x200, $0x38;
	[tilespmem:$0xB600] =	vst v63  }
0x16: {  	_ =	swait.ge [sflag:s9], $0x200  }
0x17: {  	[sflag:s9] =	ssyncset.done $0x0  }
0x18: {  	s0 =	simm.s32 $0x0;
	[sflag:s9] =	ssyncadd.s32 $0xFFFFFE00  }
0x19: {  	s12 =	simm.s32 $0x40;
	v1 =	vld [tilespmem:s0+$0x0]  }
.LBB2_2:
0x1a: {  	p0 =	sne.s32 s12, $0x7C0;
	v2 =	vld [tilespmem:s0+$0x200];
	_ =	sdelay $0x3  }
.Ltmp0:
0x1b: {  	v3 =	vshll.u32 v1, $0x3;
	(pc) =	sbr.rel @p0 .LBB2_2-.Ltmp0, $4  }
0x1c: {  	v1 =	vand.u32 $0x7F, v1;
	v3 =	vand.u32 $0xFFFFFC00, v3;
	v4 =	vshll.u32 v2, $0x3  }
0x1d: {  	v2 =	vand.u32 $0x7F, v2;
	v1 =	vor.u32 v1, v3;
	v3 =	vand.u32 $0xFFFFFC00, v4  }
0x1e: {  	s14 =	sshra.s32 s12, $0x2;
	[tilespmem:s0+$0x0] =	vst v1;
	v2 =	vor.u32 v2, v3  }
0x1f: {  	s12 =	sadd.s32 $0x40, s12;
	v1 =	vld [tilespmem:s14+$0x0];
	[tilespmem:s0+$0x200] =	vst v2;
	s0 =	smov.u32 s14  }
0x20: {  	v2 =	vld [tilespmem:s0+$0x200];
	_ =	sdelay $0x3  }
0x21: {  	v3 =	vshll.u32 v1, $0x3  }
0x22: {  	v1 =	vand.u32 $0x7F, v1;
	v3 =	vand.u32 $0xFFFFFC00, v3;
	v4 =	vshll.u32 v2, $0x3  }
0x23: {  	v2 =	vand.u32 $0x7F, v2;
	v1 =	vor.u32 v1, v3;
	v3 =	vand.u32 $0xFFFFFC00, v4  }
0x24: {  	[tilespmem:s0+$0x0] =	vst v1;
	v1 =	vor.u32 v2, v3  }
0x25: {  	[tilespmem:s0+$0x200] =	vst v1  }
0x26: {  	[tilespmem:$0xB400] =	vst v0  }
0x27: {  	[tilespmem:$0xB410] =	vst v0  }
0x28: {  	[tilespmem:$0xB420] =	vst v0  }
0x29: {  	[tilespmem:$0xB430] =	vst v0  }
0x2a: {  	[tilespmem:$0xB440] =	vst v0  }
0x2b: {  	[tilespmem:$0xB450] =	vst v0  }
0x2c: {  	[tilespmem:$0xB460] =	vst v0  }
0x2d: {  	[tilespmem:$0xB470] =	vst v0  }
0x2e: {  	[tilespmem:$0xB480] =	vst v0  }
0x2f: {  	[tilespmem:$0xB490] =	vst v0  }
0x30: {  	[tilespmem:$0xB4A0] =	vst v0  }
0x31: {  	[tilespmem:$0xB4B0] =	vst v0  }
0x32: {  	[tilespmem:$0xB4C0] =	vst v0  }
0x33: {  	[tilespmem:$0xB4D0] =	vst v0  }
0x34: {  	[tilespmem:$0xB4E0] =	vst v0  }
0x35: {  	[tilespmem:$0xB4F0] =	vst v0  }
0x36: {  	[tilespmem:$0xB500] =	vst v0  }
0x37: {  	[tilespmem:$0xB510] =	vst v0  }
0x38: {  	[tilespmem:$0xB520] =	vst v0  }
0x39: {  	[tilespmem:$0xB530] =	vst v0  }
0x3a: {  	[tilespmem:$0xB540] =	vst v0  }
0x3b: {  	[tilespmem:$0xB550] =	vst v0  }
0x3c: {  	[tilespmem:$0xB560] =	vst v0  }
0x3d: {  	[tilespmem:$0xB570] =	vst v0  }
0x3e: {  	[tilespmem:$0xB580] =	vst v0  }
0x3f: {  	[tilespmem:$0xB590] =	vst v0  }
0x40: {  	[tilespmem:$0xB5A0] =	vst v0  }
0x41: {  	[tilespmem:$0xB5B0] =	vst v0  }
0x42: {  	[tilespmem:$0xB5C0] =	vst v0  }
0x43: {  	[tilespmem:$0xB5D0] =	vst v0  }
0x44: {  	[tilespmem:$0xB5E0] =	vst v0  }
0x45: {  	s0 =	simm.s32 $0x0;
	[tilespmem:$0xB5F0] =	vst v0  }
0x46: {  	v2 =	vld [tilespmem:s0+$0x200]  }
0x47: {  	v1 =	vld [tilespmem:s0+$0x0];
	_ =	sdelay $0x3  }
0x48: {  	[tilespmem:s0+$0x4400] =	vst v2;
	v4 =	vadd.s32 $0x180, v2  }
0x49: {  	v3 =	vadd.s32 $0x80, v2;
	v6 =	vadd.s32 $0x80, v1;
	[tilespmem:s0+$0x4A00] =	vst v4  }
0x4a: {  	s12 =	simm.s32 $0x10;
	s14 =	simm.s32 $0x80;
	v2 =	vadd.s32 $0x100, v2;
	v5 =	vadd.s32 $0x100, v1;
	v4 =	vadd.s32 $0x180, v1;
	[tilespmem:s0+$0x600] =	vst v6  }
.LBB2_4:
0x4b: {  	p0 =	sne.s32 s14, $0x7C0;
	v6 =	vld [tilespmem:s12+$0x200];
	[tilespmem:s0+$0x4600] =	vst v3  }
0x4c: {  	v7 =	vld [tilespmem:s12+$0x0];
	[tilespmem:s0+$0x800] =	vst v5  }
0x4d: {  	[tilespmem:s0+$0x4800] =	vst v2  }
.Ltmp1:
0x4e: {  	[tilespmem:s0+$0xA00] =	vst v4;
	(pc) =	sbr.rel @p0 .LBB2_4-.Ltmp1, $4  }
0x4f: {  	[tilespmem:s0+$0x400] =	vst v1;
	s0 =	smov.u32 s12  }
0x50: {  	[tilespmem:s0+$0x4400] =	vst v6;
	v3 =	vadd.s32 $0x80, v6;
	v2 =	vadd.s32 $0x100, v6;
	v8 =	vadd.s32 $0x180, v6  }
0x51: {  	v6 =	vadd.s32 $0x80, v7;
	v5 =	vadd.s32 $0x100, v7;
	v4 =	vadd.s32 $0x180, v7;
	[tilespmem:s0+$0x4A00] =	vst v8;
	v1 =	vmovc v7  }
0x52: {  	s12 =	sshra.s32 s14, $0x2;
	s14 =	sadd.s32 $0x40, s14;
	[tilespmem:s0+$0x600] =	vst v6  }
0x53: {  	v6 =	vld [tilespmem:s12+$0x200];
	[tilespmem:s0+$0x4600] =	vst v3  }
0x54: {  	v3 =	vld [tilespmem:s12+$0x0];
	[tilespmem:s0+$0x800] =	vst v5  }
0x55: {  	[tilespmem:s0+$0x4800] =	vst v2  }
0x56: {  	[tilespmem:s0+$0xA00] =	vst v4  }
0x57: {  	[tilespmem:s0+$0x400] =	vst v1  }
0x58: {  	[tilespmem:s12+$0x4400] =	vst v6;
	v1 =	vadd.s32 $0x180, v6  }
0x59: {  	[tilespmem:s12+$0x4A00] =	vst v1  }
0x5a: {  	v2 =	vadd.s32 $0x80, v3;
	[tilespmem:s12+$0x400] =	vst v3  }
0x5b: {  	v1 =	vadd.s32 $0x80, v6;
	[tilespmem:s12+$0x600] =	vst v2  }
0x5c: {  	v2 =	vadd.s32 $0x100, v3;
	[tilespmem:s12+$0x4600] =	vst v1  }
0x5d: {  	v1 =	vadd.s32 $0x100, v6;
	[tilespmem:s12+$0x800] =	vst v2  }
0x5e: {  	v2 =	vadd.s32 $0x180, v3;
	[tilespmem:s12+$0x4800] =	vst v1  }
0x5f: {  	s16 =	simm.s32 $0x400;
	[tilespmem:s12+$0xA00] =	vst v2  }
0x60: {  	[tilespmem:s13], [sflag:$0x1] =	stream.indirect.gather [hbm4b:s1+s11], $0x1, s16, s11, $0xb8;
	[tilespmem:$0xB600] =	vst v63  }
0x61: {  	s31 =	simm.s32 $0x4400;
	s0 =	simm.s32 $0x0  }
0x62: {  	[tilespmem:s15], [sflag:$0x4] =	stream.indirect.gather [hbm4b:s2+s11], $0x1, s31, s11, $0xb8;
	[tilespmem:$0xB600] =	vst v63  }
0x63: {  	v4 =	vld [tilespmem:s0+$0x200]  }
0x64: {  	v7 =	vld [tilespmem:s0+$0x0];
	_ =	sdelay $0x3  }
0x65: {  	v2 =	vadd.s32 $0x200, v4;
	v3 =	vadd.s32 $0x380, v4  }
0x66: {  	v1 =	vadd.s32 $0x280, v4;
	v6 =	vadd.s32 $0x200, v7;
	v5 =	vadd.s32 $0x280, v7;
	[tilespmem:s0+$0x5200] =	vst v3  }
0x67: {  	s14 =	simm.s32 $0x80;
	s12 =	simm.s32 $0x10;
	v3 =	vadd.s32 $0x300, v7;
	[tilespmem:s0+$0xC00] =	vst v6;
	v6 =	vadd.s32 $0x300, v4;
	v4 =	vadd.s32 $0x380, v7  }
.LBB2_6:
0x68: {  	p0 =	sne.s32 s14, $0x7C0;
	v7 =	vld [tilespmem:s12+$0x200];
	[tilespmem:s0+$0x4C00] =	vst v2  }
0x69: {  	v8 =	vld [tilespmem:s12+$0x0];
	[tilespmem:s0+$0xE00] =	vst v5  }
0x6a: {  	[tilespmem:s0+$0x4E00] =	vst v1  }
.Ltmp2:
0x6b: {  	[tilespmem:s0+$0x1000] =	vst v3;
	(pc) =	sbr.rel @p0 .LBB2_6-.Ltmp2, $4  }
0x6c: {  	[tilespmem:s0+$0x5000] =	vst v6  }
0x6d: {  	v2 =	vadd.s32 $0x200, v7;
	v1 =	vadd.s32 $0x280, v7;
	v6 =	vadd.s32 $0x380, v7;
	[tilespmem:s0+$0x1200] =	vst v4;
	s0 =	smov.u32 s12  }
0x6e: {  	v4 =	vadd.s32 $0x200, v8;
	v5 =	vadd.s32 $0x280, v8;
	v3 =	vadd.s32 $0x300, v8;
	[tilespmem:s0+$0x5200] =	vst v6  }
0x6f: {  	s12 =	sshra.s32 s14, $0x2;
	s14 =	sadd.s32 $0x40, s14;
	v6 =	vadd.s32 $0x300, v7;
	[tilespmem:s0+$0xC00] =	vst v4;
	v4 =	vadd.s32 $0x380, v8  }
0x70: {  	v7 =	vld [tilespmem:s12+$0x200];
	[tilespmem:s0+$0x4C00] =	vst v2  }
0x71: {  	v2 =	vld [tilespmem:s12+$0x0];
	[tilespmem:s0+$0xE00] =	vst v5  }
0x72: {  	[tilespmem:s0+$0x4E00] =	vst v1  }
0x73: {  	[tilespmem:s0+$0x1000] =	vst v3  }
0x74: {  	[tilespmem:s0+$0x5000] =	vst v6  }
0x75: {  	[tilespmem:s0+$0x1200] =	vst v4;
	v1 =	vadd.s32 $0x380, v7  }
0x76: {  	v3 =	vadd.s32 $0x200, v2;
	[tilespmem:s12+$0x5200] =	vst v1  }
0x77: {  	v1 =	vadd.s32 $0x200, v7;
	[tilespmem:s12+$0xC00] =	vst v3  }
0x78: {  	v3 =	vadd.s32 $0x280, v2;
	[tilespmem:s12+$0x4C00] =	vst v1  }
0x79: {  	v1 =	vadd.s32 $0x280, v7;
	[tilespmem:s12+$0xE00] =	vst v3  }
0x7a: {  	v3 =	vadd.s32 $0x300, v2;
	[tilespmem:s12+$0x4E00] =	vst v1  }
0x7b: {  	v1 =	vadd.s32 $0x300, v7;
	[tilespmem:s12+$0x1000] =	vst v3  }
0x7c: {  	v2 =	vadd.s32 $0x380, v2;
	[tilespmem:s12+$0x5000] =	vst v1  }
0x7d: {  	s16 =	simm.s32 $0xC00;
	[tilespmem:s12+$0x1200] =	vst v2  }
0x7e: {  	[tilespmem:s17], [sflag:$0x2] =	stream.indirect.gather [hbm4b:s1+s11], $0x1, s16, s11, $0xb8;
	[tilespmem:$0xB600] =	vst v63  }
0x7f: {  	s31 =	simm.s32 $0x4C00;
	s0 =	simm.s32 $0x0  }
0x80: {  	[tilespmem:s19], [sflag:$0x5] =	stream.indirect.gather [hbm4b:s2+s11], $0x1, s31, s11, $0xb8;
	[tilespmem:$0xB600] =	vst v63  }
0x81: {  	v2 =	vld [tilespmem:s0+$0x0]  }
0x82: {  	v1 =	vld [tilespmem:s0+$0x200];
	_ =	sdelay $0x3  }
0x83: {  	v3 =	vadd.s32 $0x7A1400, v2;
	v4 =	vadd.s32 $0x7A1480, v2  }
0x84: {  	s12 =	simm.s32 $0x40;
	v5 =	vadd.s32 $0x7A1400, v1;
	v6 =	vadd.s32 $0x7A1580, v2;
	[tilespmem:s0+$0x1400] =	vst v3;
	v3 =	vadd.s32 $0x7A1480, v1  }
.LBB2_8:
0x85: {  	s14 =	sshra.s32 s12, $0x2;
	p0 =	sne.s32 s12, $0x7C0;
	s12 =	sadd.s32 $0x40, s12;
	v7 =	vadd.s32 $0x7A1500, v2;
	v8 =	vadd.s32 $0x7A1500, v1;
	[tilespmem:s0+$0x1A00] =	vst v6;
	v6 =	vadd.s32 $0x7A1580, v1  }
0x86: {  	v2 =	vld [tilespmem:s14+$0x0];
	[tilespmem:s0+$0x1800] =	vst v7  }
0x87: {  	v1 =	vld [tilespmem:s14+$0x200];
	[tilespmem:s0+$0x1600] =	vst v4  }
.Ltmp3:
0x88: {  	[tilespmem:s0+$0x5400] =	vst v5;
	(pc) =	sbr.rel @p0 .LBB2_8-.Ltmp3, $4  }
0x89: {  	[tilespmem:s0+$0x5A00] =	vst v6  }
0x8a: {  	[tilespmem:s0+$0x5600] =	vst v3  }
0x8b: {  	v3 =	vadd.s32 $0x7A1400, v2;
	v4 =	vadd.s32 $0x7A1480, v2;
	[tilespmem:s0+$0x5800] =	vst v8;
	s0 =	smov.u32 s14  }
0x8c: {  	v6 =	vadd.s32 $0x7A1580, v2;
	[tilespmem:s0+$0x1400] =	vst v3;
	v5 =	vadd.s32 $0x7A1400, v1;
	v3 =	vadd.s32 $0x7A1480, v1  }
0x8d: {  	[tilespmem:s0+$0x1A00] =	vst v6  }
0x8e: {  	[tilespmem:s0+$0x1600] =	vst v4  }
0x8f: {  	[tilespmem:s0+$0x5400] =	vst v5  }
0x90: {  	v2 =	vadd.s32 $0x7A1500, v2;
	[tilespmem:s0+$0x5600] =	vst v3  }
0x91: {  	[tilespmem:s0+$0x1800] =	vst v2;
	v2 =	vadd.s32 $0x7A1580, v1  }
0x92: {  	v1 =	vadd.s32 $0x7A1500, v1;
	[tilespmem:s0+$0x5A00] =	vst v2  }
0x93: {  	s14 =	simm.s32 $0x1400;
	[tilespmem:s0+$0x5800] =	vst v1  }
0x94: {  	[tilespmem:s21], [sflag:$0x3] =	stream.indirect.gather [hbm4b:s1+s11], $0x1, s14, s11, $0xb8;
	[tilespmem:$0xB600] =	vst v63  }
0x95: {  	s16 =	simm.s32 $0x5400  }
0x96: {  	[tilespmem:s23], [sflag:$0x6] =	stream.indirect.gather [hbm4b:s2+s11], $0x1, s16, s11, $0xb8;
	[tilespmem:$0xB600] =	vst v63  }
0x97: {  	_ =	swait.ge [sflag:s24], $0x800  }
0x98: {  	[sflag:s24] =	ssyncset.done $0x0  }
0x99: {  	[sflag:s24] =	ssyncadd.s32 $0xFFFFF800  }
0x9a: {  	_ =	swait.ge [sflag:s25], $0x800  }
0x9b: {  	[sflag:s25] =	ssyncset.done $0x0  }
0x9c: {  	s12 =	simm.s32 $0x0;
	[sflag:s25] =	ssyncadd.s32 $0xFFFFF800  }
0x9d: {  	v3 =	vld [tilespmem:s12+$0x0];
	_ =	sdelay $0x3  }
0x9e: {  	v4 =	vld [tilespmem:s12+$0x200]  }
0x9f: {  	s0 =	simm.s32 $0x10;
	v2 =	vadd.s32 $0x7A1780, v3  }
0xa0: {  	v1 =	vld [tilespmem:s0+$0x0];
	v5 =	vadd.s32 $0x7A1700, v3;
	[tilespmem:s12+$0x2200] =	vst v2  }
0xa1: {  	v6 =	vadd.s32 $0x7A1680, v3;
	v2 =	vld [tilespmem:s0+$0x200];
	[tilespmem:s12+$0x2000] =	vst v5  }
0xa2: {  	v3 =	vadd.s32 $0x7A1600, v3;
	[tilespmem:s12+$0x1E00] =	vst v6  }
0xa3: {  	v8 =	vadd.s32 $0x7A1780, v4;
	[tilespmem:s12+$0x1C00] =	vst v3  }
0xa4: {  	v5 =	vadd.s32 $0x7A1600, v4;
	[tilespmem:s12+$0x6200] =	vst v8  }
0xa5: {  	v7 =	vadd.s32 $0x7A1680, v1;
	v6 =	vadd.s32 $0x7A1680, v4;
	v3 =	vadd.s32 $0x7A1700, v4;
	[tilespmem:s12+$0x5C00] =	vst v5  }
0xa6: {  	s31 =	simm.s32 $0x0;
	s14 =	simm.s32 $0x80;
	v4 =	vadd.s32 $0x7A1600, v1;
	[tilespmem:s12+$0x5E00] =	vst v6;
	v6 =	vadd.s32 $0x7A1600, v2;
	v5 =	vadd.s32 $0x7A1680, v2  }
.LBB2_10:
0xa7: {  	s16 =	sshra.s32 s14, $0x2;
	p0 =	sne.s32 s14, $0x7C0;
	s14 =	sadd.s32 $0x40, s14;
	v8 =	vadd.s32 $0x7A1780, v1;
	v9 =	vadd.s32 $0x7A1780, v2;
	[tilespmem:s12+$0x6000] =	vst v3;
	v3 =	vadd.s32 $0x7A1700, v2  }
0xa8: {  	v10 =	vadd.s32 $0x7A1700, v1;
	s12 =	smov.u32 s0;
	v1 =	vld [tilespmem:s16+$0x0];
	[tilespmem:s0+$0x2200] =	vst v8;
	s0 =	smov.u32 s16  }
0xa9: {  	v2 =	vld [tilespmem:s0+$0x200];
	[tilespmem:s12+$0x2000] =	vst v10  }
.Ltmp4:
0xaa: {  	[tilespmem:s12+$0x1E00] =	vst v7;
	(pc) =	sbr.rel @p0 .LBB2_10-.Ltmp4, $4  }
0xab: {  	[tilespmem:s12+$0x1C00] =	vst v4  }
0xac: {  	[tilespmem:s12+$0x5C00] =	vst v6  }
0xad: {  	v4 =	vadd.s32 $0x7A1600, v1;
	v7 =	vadd.s32 $0x7A1680, v1;
	[tilespmem:s12+$0x5E00] =	vst v5  }
0xae: {  	v6 =	vadd.s32 $0x7A1600, v2;
	v5 =	vadd.s32 $0x7A1680, v2;
	[tilespmem:s12+$0x6200] =	vst v9  }
0xaf: {  	v8 =	vadd.s32 $0x7A1780, v1;
	[tilespmem:s12+$0x6000] =	vst v3  }
0xb0: {  	v1 =	vadd.s32 $0x7A1700, v1;
	[tilespmem:s0+$0x2200] =	vst v8  }
0xb1: {  	[tilespmem:s0+$0x2000] =	vst v1  }
0xb2: {  	[tilespmem:s0+$0x1E00] =	vst v7  }
0xb3: {  	[tilespmem:s0+$0x1C00] =	vst v4  }
0xb4: {  	[tilespmem:s0+$0x5C00] =	vst v6  }
0xb5: {  	v1 =	vadd.s32 $0x7A1780, v2;
	[tilespmem:s0+$0x5E00] =	vst v5  }
0xb6: {  	v2 =	vadd.s32 $0x7A1700, v2;
	[tilespmem:s0+$0x6200] =	vst v1  }
0xb7: {  	[tilespmem:s0+$0x6000] =	vst v2;
	s0 =	simm.s32 $0x9C00  }
0xb8: {  	s12 =	simm.s32 $0x8400;
	v1 =	vld [tilespmem:s0+$0x0]  }
0xb9: {  	s14 =	simm.s32 $0x10;
	v2 =	vld [tilespmem:s12+$0x0]  }
.LBB2_12:
0xba: {  	p0 =	sne.s32 s14, $0x7F0;
	s16 =	sand.u32 $0x1F0, s31;
	s31 =	smov.u32 s14  }
0xbb: {  	v3 =	vld [tilespmem:s16+$0xB400];
	_ =	sdelay $0x2  }
0xbc: {  	v1 =	vmul.f32 v1, v2;
	_ =	sdelay $0x1  }
.Ltmp5:
0xbd: {  	v1 =	vadd.f32 v1, v3;
	(pc) =	sbr.rel @p0 .LBB2_12-.Ltmp5, $4  }
0xbe: {  	_ = 	snop  }
0xbf: {  	s0 =	sadd.s32 $0x10, s0;
	[tilespmem:s16+$0xB400] =	vst v1  }
0xc0: {  	s12 =	sadd.s32 $0x10, s12;
	v1 =	vld [tilespmem:s0+$0x0]  }
0xc1: {  	s14 =	sadd.s32 $0x10, s14;
	v2 =	vld [tilespmem:s12+$0x0]  }
0xc2: {  	s0 =	sand.u32 $0x1F0, s31  }
0xc3: {  	v3 =	vld [tilespmem:s0+$0xB400];
	_ =	sdelay $0x2  }
0xc4: {  	v1 =	vmul.f32 v1, v2;
	_ =	sdelay $0x1  }
0xc5: {  	v1 =	vadd.f32 v1, v3;
	_ =	sdelay $0x1  }
0xc6: {  	s14 =	simm.s32 $0x1C00;
	[tilespmem:s0+$0xB400] =	vst v1  }
0xc7: {  	[tilespmem:s13], [sflag:$0x1] =	stream.indirect.gather [hbm4b:s1+s11], $0x1, s14, s11, $0xb8;
	[tilespmem:$0xB600] =	vst v63  }
0xc8: {  	s16 =	simm.s32 $0x5C00  }
0xc9: {  	[tilespmem:s15], [sflag:$0x4] =	stream.indirect.gather [hbm4b:s2+s11], $0x1, s16, s11, $0xb8;
	[tilespmem:$0xB600] =	vst v63  }
0xca: {  	_ =	swait.ge [sflag:s29], $0x800  }
0xcb: {  	[sflag:s29] =	ssyncset.done $0x0  }
0xcc: {  	[sflag:s29] =	ssyncadd.s32 $0xFFFFF800  }
0xcd: {  	_ =	swait.ge [sflag:s30], $0x800  }
0xce: {  	[sflag:s30] =	ssyncset.done $0x0  }
0xcf: {  	s0 =	simm.s32 $0x0;
	[sflag:s30] =	ssyncadd.s32 $0xFFFFF800  }
0xd0: {  	v2 =	vld [tilespmem:s0+$0x0]  }
0xd1: {  	v1 =	vld [tilespmem:s0+$0x200];
	_ =	sdelay $0x3  }
0xd2: {  	v3 =	vadd.s32 $0xF42800, v2  }
0xd3: {  	s31 =	simm.s32 $0x0;
	s12 =	simm.s32 $0x40;
	v5 =	vadd.s32 $0xF42880, v2;
	v4 =	vadd.s32 $0xF42800, v1;
	v6 =	vadd.s32 $0xF42880, v1  }
.LBB2_14:
0xd4: {  	s14 =	sshra.s32 s12, $0x2;
	p0 =	sne.s32 s12, $0x7C0;
	s12 =	sadd.s32 $0x40, s12;
	[tilespmem:s0+$0x6600] =	vst v6;
	v7 =	vadd.s32 $0xF42900, v1;
	v6 =	vadd.s32 $0xF42980, v2;
	v8 =	vadd.s32 $0xF42980, v1  }
0xd5: {  	v9 =	vadd.s32 $0xF42900, v2;
	v2 =	vld [tilespmem:s14+$0x0];
	[tilespmem:s0+$0x2A00] =	vst v6  }
0xd6: {  	v1 =	vld [tilespmem:s14+$0x200];
	[tilespmem:s0+$0x2800] =	vst v9  }
.Ltmp6:
0xd7: {  	[tilespmem:s0+$0x2600] =	vst v5;
	(pc) =	sbr.rel @p0 .LBB2_14-.Ltmp6, $4  }
0xd8: {  	[tilespmem:s0+$0x2400] =	vst v3  }
0xd9: {  	[tilespmem:s0+$0x6400] =	vst v4  }
0xda: {  	v3 =	vadd.s32 $0xF42800, v2;
	v5 =	vadd.s32 $0xF42880, v2;
	[tilespmem:s0+$0x6A00] =	vst v8  }
0xdb: {  	v4 =	vadd.s32 $0xF42800, v1;
	v6 =	vadd.s32 $0xF42880, v1;
	[tilespmem:s0+$0x6800] =	vst v7;
	s0 =	smov.u32 s14  }
0xdc: {  	[tilespmem:s0+$0x6600] =	vst v6  }
0xdd: {  	[tilespmem:s0+$0x2600] =	vst v5  }
0xde: {  	[tilespmem:s0+$0x2400] =	vst v3  }
0xdf: {  	v63 =	vadd.s32 $0xF42980, v2;
	[tilespmem:s0+$0x6400] =	vst v4  }
0xe0: {  	v2 =	vadd.s32 $0xF42900, v2;
	[tilespmem:s0+$0x2A00] =	vst v63  }
0xe1: {  	[tilespmem:s0+$0x2800] =	vst v2;
	v2 =	vadd.s32 $0xF42980, v1  }
0xe2: {  	v1 =	vadd.s32 $0xF42900, v1;
	[tilespmem:s0+$0x6A00] =	vst v2  }
0xe3: {  	[tilespmem:s0+$0x6800] =	vst v1;
	s0 =	simm.s32 $0xA400  }
0xe4: {  	s12 =	simm.s32 $0x8C00;
	v1 =	vld [tilespmem:s0+$0x0]  }
0xe5: {  	s14 =	simm.s32 $0x10;
	v2 =	vld [tilespmem:s12+$0x0]  }
.LBB2_16:
0xe6: {  	p0 =	sne.s32 s14, $0x7F0;
	s16 =	sand.u32 $0x1F0, s31;
	s31 =	smov.u32 s14  }
0xe7: {  	v3 =	vld [tilespmem:s16+$0xB400];
	_ =	sdelay $0x2  }
0xe8: {  	v1 =	vmul.f32 v1, v2;
	_ =	sdelay $0x1  }
.Ltmp7:
0xe9: {  	v1 =	vadd.f32 v1, v3;
	(pc) =	sbr.rel @p0 .LBB2_16-.Ltmp7, $4  }
0xea: {  	_ = 	snop  }
0xeb: {  	s0 =	sadd.s32 $0x10, s0;
	[tilespmem:s16+$0xB400] =	vst v1  }
0xec: {  	s12 =	sadd.s32 $0x10, s12;
	v1 =	vld [tilespmem:s0+$0x0]  }
0xed: {  	s14 =	sadd.s32 $0x10, s14;
	v2 =	vld [tilespmem:s12+$0x0]  }
0xee: {  	s0 =	sand.u32 $0x1F0, s31  }
0xef: {  	v3 =	vld [tilespmem:s0+$0xB400];
	_ =	sdelay $0x2  }
0xf0: {  	v1 =	vmul.f32 v1, v2;
	_ =	sdelay $0x1  }
0xf1: {  	v1 =	vadd.f32 v1, v3;
	_ =	sdelay $0x1  }
0xf2: {  	s14 =	simm.s32 $0x2400;
	[tilespmem:s0+$0xB400] =	vst v1  }
0xf3: {  	[tilespmem:s17], [sflag:$0x2] =	stream.indirect.gather [hbm4b:s1+s11], $0x1, s14, s11, $0xb8;
	[tilespmem:$0xB600] =	vst v63  }
0xf4: {  	s16 =	simm.s32 $0x6400  }
0xf5: {  	[tilespmem:s19], [sflag:$0x5] =	stream.indirect.gather [hbm4b:s2+s11], $0x1, s16, s11, $0xb8;
	[tilespmem:$0xB600] =	vst v63  }
0xf6: {  	_ =	swait.ge [sflag:s3], $0x800  }
0xf7: {  	[sflag:s3] =	ssyncset.done $0x0  }
0xf8: {  	[sflag:s3] =	ssyncadd.s32 $0xFFFFF800  }
0xf9: {  	_ =	swait.ge [sflag:s10], $0x800  }
0xfa: {  	[sflag:s10] =	ssyncset.done $0x0  }
0xfb: {  	s12 =	simm.s32 $0x0;
	[sflag:s10] =	ssyncadd.s32 $0xFFFFF800  }
0xfc: {  	v3 =	vld [tilespmem:s12+$0x0];
	_ =	sdelay $0x3  }
0xfd: {  	v4 =	vld [tilespmem:s12+$0x200]  }
0xfe: {  	s0 =	simm.s32 $0x10;
	v2 =	vadd.s32 $0xF42B80, v3  }
0xff: {  	v1 =	vld [tilespmem:s0+$0x0];
	v5 =	vadd.s32 $0xF42B00, v3;
	[tilespmem:s12+$0x3200] =	vst v2  }
0x100: {  	v6 =	vadd.s32 $0xF42A80, v3;
	v2 =	vld [tilespmem:s0+$0x200];
	[tilespmem:s12+$0x3000] =	vst v5  }
0x101: {  	v3 =	vadd.s32 $0xF42A00, v3;
	[tilespmem:s12+$0x2E00] =	vst v6  }
0x102: {  	v8 =	vadd.s32 $0xF42B80, v4;
	[tilespmem:s12+$0x2C00] =	vst v3  }
0x103: {  	v5 =	vadd.s32 $0xF42A00, v4;
	[tilespmem:s12+$0x7200] =	vst v8  }
0x104: {  	v7 =	vadd.s32 $0xF42A80, v1;
	v6 =	vadd.s32 $0xF42A80, v4;
	v3 =	vadd.s32 $0xF42B00, v4;
	[tilespmem:s12+$0x6C00] =	vst v5  }
0x105: {  	s31 =	simm.s32 $0x0;
	s14 =	simm.s32 $0x80;
	v4 =	vadd.s32 $0xF42A00, v1;
	[tilespmem:s12+$0x6E00] =	vst v6;
	v6 =	vadd.s32 $0xF42A00, v2;
	v5 =	vadd.s32 $0xF42A80, v2  }
.LBB2_18:
0x106: {  	s16 =	sshra.s32 s14, $0x2;
	p0 =	sne.s32 s14, $0x7C0;
	s14 =	sadd.s32 $0x40, s14;
	v8 =	vadd.s32 $0xF42B80, v1;
	v9 =	vadd.s32 $0xF42B80, v2;
	[tilespmem:s12+$0x7000] =	vst v3;
	v3 =	vadd.s32 $0xF42B00, v2  }
0x107: {  	v10 =	vadd.s32 $0xF42B00, v1;
	s12 =	smov.u32 s0;
	v1 =	vld [tilespmem:s16+$0x0];
	[tilespmem:s0+$0x3200] =	vst v8;
	s0 =	smov.u32 s16  }
0x108: {  	v2 =	vld [tilespmem:s0+$0x200];
	[tilespmem:s12+$0x3000] =	vst v10  }
.Ltmp8:
0x109: {  	[tilespmem:s12+$0x2E00] =	vst v7;
	(pc) =	sbr.rel @p0 .LBB2_18-.Ltmp8, $4  }
0x10a: {  	[tilespmem:s12+$0x2C00] =	vst v4  }
0x10b: {  	[tilespmem:s12+$0x6C00] =	vst v6  }
0x10c: {  	v4 =	vadd.s32 $0xF42A00, v1;
	v7 =	vadd.s32 $0xF42A80, v1;
	[tilespmem:s12+$0x6E00] =	vst v5  }
0x10d: {  	v6 =	vadd.s32 $0xF42A00, v2;
	v5 =	vadd.s32 $0xF42A80, v2;
	[tilespmem:s12+$0x7200] =	vst v9  }
0x10e: {  	v8 =	vadd.s32 $0xF42B80, v1;
	[tilespmem:s12+$0x7000] =	vst v3  }
0x10f: {  	v1 =	vadd.s32 $0xF42B00, v1;
	[tilespmem:s0+$0x3200] =	vst v8  }
0x110: {  	[tilespmem:s0+$0x3000] =	vst v1  }
0x111: {  	[tilespmem:s0+$0x2E00] =	vst v7  }
0x112: {  	[tilespmem:s0+$0x2C00] =	vst v4  }
0x113: {  	[tilespmem:s0+$0x6C00] =	vst v6  }
0x114: {  	v1 =	vadd.s32 $0xF42B80, v2;
	[tilespmem:s0+$0x6E00] =	vst v5  }
0x115: {  	v2 =	vadd.s32 $0xF42B00, v2;
	[tilespmem:s0+$0x7200] =	vst v1  }
0x116: {  	[tilespmem:s0+$0x7000] =	vst v2;
	s0 =	simm.s32 $0xAC00  }
0x117: {  	s12 =	simm.s32 $0x9400;
	v1 =	vld [tilespmem:s0+$0x0]  }
0x118: {  	s14 =	simm.s32 $0x10;
	v2 =	vld [tilespmem:s12+$0x0]  }
.LBB2_20:
0x119: {  	p0 =	sne.s32 s14, $0x7F0;
	s16 =	sand.u32 $0x1F0, s31;
	s31 =	smov.u32 s14  }
0x11a: {  	v3 =	vld [tilespmem:s16+$0xB400];
	_ =	sdelay $0x2  }
0x11b: {  	v1 =	vmul.f32 v1, v2;
	_ =	sdelay $0x1  }
.Ltmp9:
0x11c: {  	v1 =	vadd.f32 v1, v3;
	(pc) =	sbr.rel @p0 .LBB2_20-.Ltmp9, $4  }
0x11d: {  	_ = 	snop  }
0x11e: {  	s0 =	sadd.s32 $0x10, s0;
	[tilespmem:s16+$0xB400] =	vst v1  }
0x11f: {  	s12 =	sadd.s32 $0x10, s12;
	v1 =	vld [tilespmem:s0+$0x0]  }
0x120: {  	s14 =	sadd.s32 $0x10, s14;
	v2 =	vld [tilespmem:s12+$0x0]  }
0x121: {  	s0 =	sand.u32 $0x1F0, s31  }
0x122: {  	v3 =	vld [tilespmem:s0+$0xB400];
	_ =	sdelay $0x2  }
0x123: {  	v1 =	vmul.f32 v1, v2;
	_ =	sdelay $0x1  }
0x124: {  	v1 =	vadd.f32 v1, v3;
	_ =	sdelay $0x1  }
0x125: {  	s14 =	simm.s32 $0x2C00;
	[tilespmem:s0+$0xB400] =	vst v1  }
0x126: {  	[tilespmem:s21], [sflag:$0x3] =	stream.indirect.gather [hbm4b:s1+s11], $0x1, s14, s11, $0xb8;
	[tilespmem:$0xB600] =	vst v63  }
0x127: {  	s16 =	simm.s32 $0x6C00  }
0x128: {  	[tilespmem:s23], [sflag:$0x6] =	stream.indirect.gather [hbm4b:s2+s11], $0x1, s16, s11, $0xb8;
	[tilespmem:$0xB600] =	vst v63  }
0x129: {  	_ =	swait.ge [sflag:s24], $0x800  }
0x12a: {  	[sflag:s24] =	ssyncset.done $0x0  }
0x12b: {  	[sflag:s24] =	ssyncadd.s32 $0xFFFFF800  }
0x12c: {  	_ =	swait.ge [sflag:s25], $0x800  }
0x12d: {  	[sflag:s25] =	ssyncset.done $0x0  }
0x12e: {  	s12 =	simm.s32 $0x0;
	[sflag:s25] =	ssyncadd.s32 $0xFFFFF800  }
0x12f: {  	v3 =	vld [tilespmem:s12+$0x0];
	_ =	sdelay $0x3  }
0x130: {  	v4 =	vld [tilespmem:s12+$0x200]  }
0x131: {  	s0 =	simm.s32 $0x10;
	v2 =	vadd.s32 $0x16E3D80, v3  }
0x132: {  	v1 =	vld [tilespmem:s0+$0x0];
	v5 =	vadd.s32 $0x16E3D00, v3;
	[tilespmem:s12+$0x3A00] =	vst v2  }
0x133: {  	v6 =	vadd.s32 $0x16E3C80, v3;
	v2 =	vld [tilespmem:s0+$0x200];
	[tilespmem:s12+$0x3800] =	vst v5  }
0x134: {  	v3 =	vadd.s32 $0x16E3C00, v3;
	[tilespmem:s12+$0x3600] =	vst v6  }
0x135: {  	v8 =	vadd.s32 $0x16E3D80, v4;
	[tilespmem:s12+$0x3400] =	vst v3  }
0x136: {  	v5 =	vadd.s32 $0x16E3C00, v4;
	[tilespmem:s12+$0x7A00] =	vst v8  }
0x137: {  	v7 =	vadd.s32 $0x16E3C80, v1;
	v6 =	vadd.s32 $0x16E3C80, v4;
	v3 =	vadd.s32 $0x16E3D00, v4;
	[tilespmem:s12+$0x7400] =	vst v5  }
0x138: {  	s31 =	simm.s32 $0x0;
	s14 =	simm.s32 $0x80;
	v4 =	vadd.s32 $0x16E3C00, v1;
	[tilespmem:s12+$0x7600] =	vst v6;
	v6 =	vadd.s32 $0x16E3C00, v2;
	v5 =	vadd.s32 $0x16E3C80, v2  }
.LBB2_22:
0x139: {  	s16 =	sshra.s32 s14, $0x2;
	p0 =	sne.s32 s14, $0x7C0;
	s14 =	sadd.s32 $0x40, s14;
	v8 =	vadd.s32 $0x16E3D80, v1;
	v9 =	vadd.s32 $0x16E3D80, v2;
	[tilespmem:s12+$0x7800] =	vst v3;
	v3 =	vadd.s32 $0x16E3D00, v2  }
0x13a: {  	v10 =	vadd.s32 $0x16E3D00, v1;
	s12 =	smov.u32 s0;
	v1 =	vld [tilespmem:s16+$0x0];
	[tilespmem:s0+$0x3A00] =	vst v8;
	s0 =	smov.u32 s16  }
0x13b: {  	v2 =	vld [tilespmem:s0+$0x200];
	[tilespmem:s12+$0x3800] =	vst v10  }
.Ltmp10:
0x13c: {  	[tilespmem:s12+$0x3600] =	vst v7;
	(pc) =	sbr.rel @p0 .LBB2_22-.Ltmp10, $4  }
0x13d: {  	[tilespmem:s12+$0x3400] =	vst v4  }
0x13e: {  	[tilespmem:s12+$0x7400] =	vst v6  }
0x13f: {  	v4 =	vadd.s32 $0x16E3C00, v1;
	v7 =	vadd.s32 $0x16E3C80, v1;
	[tilespmem:s12+$0x7600] =	vst v5  }
0x140: {  	v6 =	vadd.s32 $0x16E3C00, v2;
	v5 =	vadd.s32 $0x16E3C80, v2;
	[tilespmem:s12+$0x7A00] =	vst v9  }
0x141: {  	v8 =	vadd.s32 $0x16E3D80, v1;
	[tilespmem:s12+$0x7800] =	vst v3  }
0x142: {  	v1 =	vadd.s32 $0x16E3D00, v1;
	[tilespmem:s0+$0x3A00] =	vst v8  }
0x143: {  	[tilespmem:s0+$0x3800] =	vst v1  }
0x144: {  	[tilespmem:s0+$0x3600] =	vst v7  }
0x145: {  	[tilespmem:s0+$0x3400] =	vst v4  }
0x146: {  	[tilespmem:s0+$0x7400] =	vst v6  }
0x147: {  	v1 =	vadd.s32 $0x16E3D80, v2;
	[tilespmem:s0+$0x7600] =	vst v5  }
0x148: {  	v2 =	vadd.s32 $0x16E3D00, v2;
	[tilespmem:s0+$0x7A00] =	vst v1  }
0x149: {  	[tilespmem:s0+$0x7800] =	vst v2;
	s0 =	simm.s32 $0x9C00  }
0x14a: {  	s12 =	simm.s32 $0x8400;
	v1 =	vld [tilespmem:s0+$0x0]  }
0x14b: {  	s14 =	simm.s32 $0x10;
	v2 =	vld [tilespmem:s12+$0x0]  }
.LBB2_24:
0x14c: {  	p0 =	sne.s32 s14, $0x7F0;
	s16 =	sand.u32 $0x1F0, s31;
	s31 =	smov.u32 s14  }
0x14d: {  	v3 =	vld [tilespmem:s16+$0xB400];
	_ =	sdelay $0x2  }
0x14e: {  	v1 =	vmul.f32 v1, v2;
	_ =	sdelay $0x1  }
.Ltmp11:
0x14f: {  	v1 =	vadd.f32 v1, v3;
	(pc) =	sbr.rel @p0 .LBB2_24-.Ltmp11, $4  }
0x150: {  	_ = 	snop  }
0x151: {  	s0 =	sadd.s32 $0x10, s0;
	[tilespmem:s16+$0xB400] =	vst v1  }
0x152: {  	s12 =	sadd.s32 $0x10, s12;
	v1 =	vld [tilespmem:s0+$0x0]  }
0x153: {  	s14 =	sadd.s32 $0x10, s14;
	v2 =	vld [tilespmem:s12+$0x0]  }
0x154: {  	s0 =	sand.u32 $0x1F0, s31  }
0x155: {  	v3 =	vld [tilespmem:s0+$0xB400];
	_ =	sdelay $0x2  }
0x156: {  	v1 =	vmul.f32 v1, v2;
	_ =	sdelay $0x1  }
0x157: {  	v1 =	vadd.f32 v1, v3;
	_ =	sdelay $0x1  }
0x158: {  	s16 =	simm.s32 $0x3400;
	[tilespmem:s0+$0xB400] =	vst v1  }
0x159: {  	[tilespmem:s13], [sflag:$0x1] =	stream.indirect.gather [hbm4b:s1+s11], $0x1, s16, s11, $0xb8;
	[tilespmem:$0xB600] =	vst v63  }
0x15a: {  	_ = 	snop  }
0x15b: {  	[tilespmem:s15], [sflag:$0x4] =	stream.indirect.gather [hbm4b:s2+s11], $0x1, s18, s11, $0xb8;
	[tilespmem:$0xB600] =	vst v63  }
0x15c: {  	_ =	swait.ge [sflag:s29], $0x800  }
0x15d: {  	[sflag:s29] =	ssyncset.done $0x0  }
0x15e: {  	[sflag:s29] =	ssyncadd.s32 $0xFFFFF800  }
0x15f: {  	_ =	swait.ge [sflag:s30], $0x800  }
0x160: {  	[sflag:s30] =	ssyncset.done $0x0  }
0x161: {  	s0 =	simm.s32 $0x0;
	[sflag:s30] =	ssyncadd.s32 $0xFFFFF800  }
0x162: {  	v2 =	vld [tilespmem:s0+$0x0]  }
0x163: {  	v1 =	vld [tilespmem:s0+$0x200];
	_ =	sdelay $0x3  }
0x164: {  	v3 =	vadd.s32 $0x16E3E00, v2;
	v4 =	vadd.s32 $0x16E3E80, v2  }
0x165: {  	s31 =	simm.s32 $0x0;
	s12 =	simm.s32 $0x40;
	v5 =	vadd.s32 $0x16E3E00, v1;
	v6 =	vadd.s32 $0x16E3F80, v2;
	[tilespmem:s0+$0x3E00] =	vst v4;
	v4 =	vadd.s32 $0x16E3E80, v1  }
.LBB2_26:
0x166: {  	s14 =	sshra.s32 s12, $0x2;
	p0 =	sne.s32 s12, $0x7C0;
	s12 =	sadd.s32 $0x40, s12;
	v7 =	vadd.s32 $0x16E3F00, v2;
	v8 =	vadd.s32 $0x16E3F00, v1;
	[tilespmem:s0+$0x4200] =	vst v6;
	v6 =	vadd.s32 $0x16E3F80, v1  }
0x167: {  	v2 =	vld [tilespmem:s14+$0x0];
	[tilespmem:s0+$0x4000] =	vst v7  }
0x168: {  	v1 =	vld [tilespmem:s14+$0x200];
	[tilespmem:s0+$0x3C00] =	vst v3  }
.Ltmp12:
0x169: {  	[tilespmem:s0+$0x7C00] =	vst v5;
	(pc) =	sbr.rel @p0 .LBB2_26-.Ltmp12, $4  }
0x16a: {  	[tilespmem:s0+$0x8200] =	vst v6  }
0x16b: {  	[tilespmem:s0+$0x7E00] =	vst v4  }
0x16c: {  	v3 =	vadd.s32 $0x16E3E00, v2;
	v4 =	vadd.s32 $0x16E3E80, v2;
	[tilespmem:s0+$0x8000] =	vst v8;
	s0 =	smov.u32 s14  }
0x16d: {  	v6 =	vadd.s32 $0x16E3F80, v2;
	v5 =	vadd.s32 $0x16E3E00, v1;
	[tilespmem:s0+$0x3E00] =	vst v4;
	v4 =	vadd.s32 $0x16E3E80, v1  }
0x16e: {  	[tilespmem:s0+$0x4200] =	vst v6  }
0x16f: {  	[tilespmem:s0+$0x3C00] =	vst v3  }
0x170: {  	[tilespmem:s0+$0x7C00] =	vst v5  }
0x171: {  	v2 =	vadd.s32 $0x16E3F00, v2;
	[tilespmem:s0+$0x7E00] =	vst v4  }
0x172: {  	[tilespmem:s0+$0x4000] =	vst v2;
	v2 =	vadd.s32 $0x16E3F80, v1  }
0x173: {  	v1 =	vadd.s32 $0x16E3F00, v1;
	[tilespmem:s0+$0x8200] =	vst v2  }
0x174: {  	[tilespmem:s0+$0x8000] =	vst v1;
	s0 =	simm.s32 $0xA400  }
0x175: {  	s12 =	simm.s32 $0x8C00;
	v1 =	vld [tilespmem:s0+$0x0]  }
0x176: {  	s14 =	simm.s32 $0x10;
	v2 =	vld [tilespmem:s12+$0x0]  }
.LBB2_28:
0x177: {  	p0 =	sne.s32 s14, $0x7F0;
	s16 =	sand.u32 $0x1F0, s31;
	s31 =	smov.u32 s14  }
0x178: {  	v3 =	vld [tilespmem:s16+$0xB400];
	_ =	sdelay $0x2  }
0x179: {  	v1 =	vmul.f32 v1, v2;
	_ =	sdelay $0x1  }
.Ltmp13:
0x17a: {  	v1 =	vadd.f32 v1, v3;
	(pc) =	sbr.rel @p0 .LBB2_28-.Ltmp13, $4  }
0x17b: {  	_ = 	snop  }
0x17c: {  	s0 =	sadd.s32 $0x10, s0;
	[tilespmem:s16+$0xB400] =	vst v1  }
0x17d: {  	s12 =	sadd.s32 $0x10, s12;
	v1 =	vld [tilespmem:s0+$0x0]  }
0x17e: {  	s14 =	sadd.s32 $0x10, s14;
	v2 =	vld [tilespmem:s12+$0x0]  }
0x17f: {  	s0 =	sand.u32 $0x1F0, s31  }
0x180: {  	v3 =	vld [tilespmem:s0+$0xB400];
	_ =	sdelay $0x2  }
0x181: {  	v1 =	vmul.f32 v1, v2;
	_ =	sdelay $0x1  }
0x182: {  	v1 =	vadd.f32 v1, v3;
	_ =	sdelay $0x1  }
0x183: {  	[tilespmem:s0+$0xB400] =	vst v1  }
0x184: {  	[tilespmem:s17], [sflag:$0x2] =	stream.indirect.gather [hbm4b:s1+s11], $0x1, s20, s11, $0xb8;
	[tilespmem:$0xB600] =	vst v63  }
0x185: {  	_ = 	snop  }
0x186: {  	[tilespmem:s19], [sflag:$0x5] =	stream.indirect.gather [hbm4b:s2+s11], $0x1, s22, s11, $0xb8;
	[tilespmem:$0xB600] =	vst v63  }
0x187: {  	_ =	swait.ge [sflag:s3], $0x800  }
0x188: {  	[sflag:s3] =	ssyncset.done $0x0  }
0x189: {  	[sflag:s3] =	ssyncadd.s32 $0xFFFFF800  }
0x18a: {  	_ =	swait.ge [sflag:s10], $0x800  }
0x18b: {  	[sflag:s10] =	ssyncset.done $0x0  }
0x18c: {  	s0 =	simm.s32 $0xAC00;
	[sflag:s10] =	ssyncadd.s32 $0xFFFFF800  }
0x18d: {  	s12 =	simm.s32 $0x9400;
	v1 =	vld [tilespmem:s0+$0x0]  }
0x18e: {  	s14 =	simm.s32 $0x0;
	s31 =	simm.s32 $0x10;
	v2 =	vld [tilespmem:s12+$0x0]  }
.LBB2_30:
0x18f: {  	p0 =	sne.s32 s31, $0x7F0;
	s16 =	sand.u32 $0x1F0, s14;
	s14 =	smov.u32 s31  }
0x190: {  	v3 =	vld [tilespmem:s16+$0xB400];
	_ =	sdelay $0x2  }
0x191: {  	v1 =	vmul.f32 v1, v2;
	_ =	sdelay $0x1  }
.Ltmp14:
0x192: {  	v1 =	vadd.f32 v1, v3;
	(pc) =	sbr.rel @p0 .LBB2_30-.Ltmp14, $4  }
0x193: {  	_ = 	snop  }
0x194: {  	s0 =	sadd.s32 $0x10, s0;
	[tilespmem:s16+$0xB400] =	vst v1  }
0x195: {  	s12 =	sadd.s32 $0x10, s12;
	v1 =	vld [tilespmem:s0+$0x0]  }
0x196: {  	s31 =	sadd.s32 $0x10, s31;
	v2 =	vld [tilespmem:s12+$0x0]  }
0x197: {  	s0 =	sand.u32 $0x1F0, s14  }
0x198: {  	v3 =	vld [tilespmem:s0+$0xB400];
	_ =	sdelay $0x2  }
0x199: {  	v1 =	vmul.f32 v1, v2;
	_ =	sdelay $0x1  }
0x19a: {  	v1 =	vadd.f32 v1, v3;
	_ =	sdelay $0x1  }
0x19b: {  	[tilespmem:s0+$0xB400] =	vst v1  }
0x19c: {  	_ =	swait.ge [sflag:s24], $0x800  }
0x19d: {  	[sflag:s24] =	ssyncset.done $0x0  }
0x19e: {  	[sflag:s24] =	ssyncadd.s32 $0xFFFFF800  }
0x19f: {  	_ =	swait.ge [sflag:s25], $0x800  }
0x1a0: {  	[sflag:s25] =	ssyncset.done $0x0  }
0x1a1: {  	s0 =	simm.s32 $0x9C00;
	[sflag:s25] =	ssyncadd.s32 $0xFFFFF800  }
0x1a2: {  	s12 =	simm.s32 $0x8400;
	v1 =	vld [tilespmem:s0+$0x0]  }
0x1a3: {  	s14 =	simm.s32 $0x0;
	s31 =	simm.s32 $0x10;
	v2 =	vld [tilespmem:s12+$0x0]  }
.LBB2_32:
0x1a4: {  	p0 =	sne.s32 s31, $0x7F0;
	s16 =	sand.u32 $0x1F0, s14;
	s14 =	smov.u32 s31  }
0x1a5: {  	v3 =	vld [tilespmem:s16+$0xB400];
	_ =	sdelay $0x2  }
0x1a6: {  	v1 =	vmul.f32 v1, v2;
	_ =	sdelay $0x1  }
.Ltmp15:
0x1a7: {  	v1 =	vadd.f32 v1, v3;
	(pc) =	sbr.rel @p0 .LBB2_32-.Ltmp15, $4  }
0x1a8: {  	_ = 	snop  }
0x1a9: {  	s0 =	sadd.s32 $0x10, s0;
	[tilespmem:s16+$0xB400] =	vst v1  }
0x1aa: {  	s12 =	sadd.s32 $0x10, s12;
	v1 =	vld [tilespmem:s0+$0x0]  }
0x1ab: {  	s31 =	sadd.s32 $0x10, s31;
	v2 =	vld [tilespmem:s12+$0x0]  }
0x1ac: {  	s0 =	sand.u32 $0x1F0, s14  }
0x1ad: {  	v3 =	vld [tilespmem:s0+$0xB400];
	_ =	sdelay $0x2  }
0x1ae: {  	v1 =	vmul.f32 v1, v2;
	_ =	sdelay $0x1  }
0x1af: {  	v1 =	vadd.f32 v1, v3;
	_ =	sdelay $0x1  }
0x1b0: {  	[tilespmem:s0+$0xB400] =	vst v1  }
0x1b1: {  	_ =	swait.ge [sflag:s29], $0x800  }
0x1b2: {  	[sflag:s29] =	ssyncset.done $0x0  }
0x1b3: {  	[sflag:s29] =	ssyncadd.s32 $0xFFFFF800  }
0x1b4: {  	_ =	swait.ge [sflag:s30], $0x800  }
0x1b5: {  	[sflag:s30] =	ssyncset.done $0x0  }
0x1b6: {  	s0 =	simm.s32 $0xA400;
	[sflag:s30] =	ssyncadd.s32 $0xFFFFF800  }
0x1b7: {  	s12 =	simm.s32 $0x8C00;
	v1 =	vld [tilespmem:s0+$0x0]  }
0x1b8: {  	s14 =	simm.s32 $0x0;
	s31 =	simm.s32 $0x10;
	v2 =	vld [tilespmem:s12+$0x0]  }
.LBB2_34:
0x1b9: {  	p0 =	sne.s32 s31, $0x7F0;
	s16 =	sand.u32 $0x1F0, s14;
	s14 =	smov.u32 s31  }
0x1ba: {  	v3 =	vld [tilespmem:s16+$0xB400];
	_ =	sdelay $0x2  }
0x1bb: {  	v1 =	vmul.f32 v1, v2;
	_ =	sdelay $0x1  }
.Ltmp16:
0x1bc: {  	v1 =	vadd.f32 v1, v3;
	(pc) =	sbr.rel @p0 .LBB2_34-.Ltmp16, $4  }
0x1bd: {  	_ = 	snop  }
0x1be: {  	s0 =	sadd.s32 $0x10, s0;
	[tilespmem:s16+$0xB400] =	vst v1  }
0x1bf: {  	s12 =	sadd.s32 $0x10, s12;
	v1 =	vld [tilespmem:s0+$0x0]  }
0x1c0: {  	s31 =	sadd.s32 $0x10, s31;
	v2 =	vld [tilespmem:s12+$0x0]  }
0x1c1: {  	s0 =	sand.u32 $0x1F0, s14  }
0x1c2: {  	v3 =	vld [tilespmem:s0+$0xB400];
	_ =	sdelay $0x2  }
0x1c3: {  	v1 =	vmul.f32 v1, v2;
	_ =	sdelay $0x1  }
0x1c4: {  	v1 =	vadd.f32 v1, v3;
	_ =	sdelay $0x1  }
0x1c5: {  	s12 =	simm.s32 $0x40;
	[tilespmem:s0+$0xB400] =	vst v1;
	s0 =	simm.s32 $0x0  }
.LBB2_36:
0x1c6: {  	p0 =	sne.s32 s12, $0x7C0;
	v1 =	vld [tilespmem:s0+$0xB400];
	_ =	sdelay $0x4  }
0x1c7: {  	v1 =	vsub.f32 $0.0e+00, v1;
	_ =	sdelay $0x1  }
0x1c8: {  	v1 =	vmul.f32 $1.442695020e+00, v1;
	_ =	sdelay $0x1  }
0x1c9: {  	(erf) = vpow2.f32 v1;
	_ =	sdelay $0x8  }
0x1ca: {  	v1 =	vpop (erf)  }
0x1cb: {  	v1 =	vadd.f32 $1.000000000e+00, v1;
	_ =	sdelay $0x1  }
0x1cc: {  	(erf) = vrcp.f32 v1;
	_ =	sdelay $0x5  }
.Ltmp17:
0x1cd: {  	(pc) =	sbr.rel @p0 .LBB2_36-.Ltmp17, $3  }
0x1ce: {  	_ =	sdelay $0x1  }
0x1cf: {  	v1 =	vpop (erf)  }
0x1d0: {  	[tilespmem:s0+$0xB400] =	vst v1;
	s0 =	sshra.s32 s12, $0x2;
	s12 =	sadd.s32 $0x40, s12  }
0x1d1: {  	v1 =	vld [tilespmem:s0+$0xB400];
	_ =	sdelay $0x4  }
0x1d2: {  	v1 =	vsub.f32 $0.0e+00, v1;
	_ =	sdelay $0x1  }
0x1d3: {  	v1 =	vmul.f32 $1.442695020e+00, v1;
	_ =	sdelay $0x1  }
0x1d4: {  	(erf) = vpow2.f32 v1;
	_ =	sdelay $0x8  }
0x1d5: {  	v1 =	vpop (erf)  }
0x1d6: {  	v1 =	vadd.f32 $1.000000000e+00, v1;
	_ =	sdelay $0x1  }
0x1d7: {  	(erf) = vrcp.f32 v1;
	_ =	sdelay $0x7  }
0x1d8: {  	s28 =	sadd.s32 $0x1, s28  }
0x1d9: {  	p0 =	sne.s32 s28, s8;
	v1 =	vpop (erf)  }
.Ltmp18:
0x1da: {  	[tilespmem:s0+$0xB400] =	vst v1;
	(pc) =	sbr.rel @p0 .LBB2_1-.Ltmp18, $4  }
0x1db: {  	[hbm4b:s7+s4] =	stream.linear.scatter [tilespmem:s26], [sflag:$0x7], $0x200, $0x38;
	[tilespmem:$0xB600] =	vst v63  }
0x1dc: {  	_ =	swait.ge [sflag:s9], $0x200  }
0x1dd: {  	[sflag:s9] =	ssyncset.done $0x0  }
0x1de: {  	[sflag:s9] =	ssyncadd.s32 $0xFFFFFE00  }
0x1df: {  	_ =	sfence.sel $0x180000  }
0x1e0: {  	[bflag:$0x0] =	sbarrier.arrive $0xFFFF  }
0x1e1: {  	_ =	strace $0x90000047  }
0x1e2: {  	s0 =	stileid.u32;
	[bflag:$0x2] =	sbarrier.arrive $0xFFFF  }
0x1e3: {  	p0 =	sne.s32 s0, $0x0;
	s0 =	rddreg [dreg:$0x5]  }
0x1e4: {  	s0 =	sadd.s32 @!p0 $0x100000, s0  }
0x1e5: {  	[sflag:s0] =	ssyncadd.tile.s32 @!p0 $0x1;
	_ =	shalt  }
.Lfunc_end2:
_tile_overlayer_lowered:
.L_overlay_start_2:
0x1e6: {  	(tag) =	ssettag $0x2  }
0x1e7: {  	s0 =	rddreg [dreg:$0x0];
	s2 =	stileid.u32  }
0x1e8: {  	s1 =	rddreg [dreg:$0x1];
	p0 =	sne.s32 s2, $0x0  }
0x1e9: {  	s3 =	rddreg [dreg:$0x2];
	[bflag:$0x3] =	sbarrier.arrive $0xFFFF;
	s2 =	simm.s32 @!p0 $0x1C07  }
0x1ea: {  	[timem:s3], [sflag:s2] =	dma.local @!p0 [hbm:s0], s1  }
0x1eb: {  	s0 =	simm.s32 @!p0 $0x7  }
0x1ec: {  	_ =	swait.ge @!p0 [sflag:s0], s1  }
0x1ed: {  	s1 =	ssub.s32 @!p0 $0x0, s1;
	[sflag:s0] =	ssyncset.done @!p0 $0x0  }
0x1ee: {  	[sflag:s0] =	ssyncadd.s32 @!p0 s1  }
0x1ef: {  	[bflag:$0x3] =	sbarrier.arrive $0xFFFF  }
0x1f0: {  	_ =	shalt  }

</sc_bundles>
